<compile_context>
chip_gen: v7x
topology: tpu7x:2x2x1
jax: 0.10.2.dev20260603
libtpu: 0.0.44.dev20260713+nightly
codegen_flags: <defaults>
</compile_context>

<pallas_src>
import functools

import jax
import jax.numpy as jnp
from jax import lax
from jax.experimental import pallas as pl
from jax.experimental.pallas import tpu as pltpu
from jax.experimental.pallas import tpu_sc as plsc

B = 16
IMG = 224
PATCH = 16
FEAT = 768
HID = 768
EMB = 384
K = 2048
BETA = 0.25
EPS = 1e-8

N = 2 * B * 14 * 14
HALF = N // 2
T = 784
TL = 896
P = 392
NT = N // T
NL = N // TL
NP = HALF // P
NPAD = 6400


def _leaky(x):
    return jnp.where(x >= 0, x, 0.1 * x)


def _rnd(x):
    return x.astype(jnp.bfloat16).astype(jnp.float32)


def _dot(a, b):
    return jnp.dot(a, b, preferred_element_type=jnp.float32)


def _resblock_cm(x, w1, b1, w2, b2):
    h = _rnd(_leaky(_dot(w1, x) + b1))
    return x + (_dot(w2, h) + b2)


def _k1_kern(x_ref, pw, pb, e0w1, e0b1, e0w2, e0b2, e1w1, e1b1, e1w2, e1b2,
             vqw, dino_ref, feat_ref, f0_ref):
    dino = _dot(pw[...], x_ref[...]) + pb[...]
    t = _resblock_cm(dino, e0w1[...], e0b1[...], e0w2[...], e0b2[...])
    feat = _resblock_cm(t, e1w1[...], e1b1[...], e1w2[...], e1b2[...])
    dino_ref[...] = dino
    feat_ref[...] = feat
    f0_ref[...] = _dot(vqw[...], _rnd(_leaky(feat)))


def _vq_kern(za_ref, zb_ref, cbT_ref, c2_ref, ia_ref, ib_ref, jsd_ref, loss_ref):
    i = pl.program_id(0)
    cbT = cbT_ref[...]
    c2 = c2_ref[...]

    def half(z):
        z2 = jnp.sum(z * z, axis=1, keepdims=True)
        d = z2 + c2 - 2.0 * _dot(z, cbT)
        dmin = jnp.min(d, axis=1, keepdims=True)
        lanes = jax.lax.broadcasted_iota(jnp.int32, d.shape, 1)
        idx = jnp.min(jnp.where(d == dmin, lanes, K), axis=1)
        e = jnp.exp(dmin - d)
        p = e / jnp.sum(e, axis=1, keepdims=True)
        return p, idx, dmin

    pa, idxa, dmina = half(za_ref[...])
    pb, idxb, dminb = half(zb_ref[...])
    ia_ref[...] = idxa[:, None]
    ib_ref[...] = idxb[:, None]

    m = 0.5 * (pa + pb)
    lm = jnp.log(m + EPS)
    kl1 = jnp.sum(pa * (jnp.log(pa + EPS) - lm), axis=1)
    kl2 = jnp.sum(pb * (jnp.log(pb + EPS) - lm), axis=1)
    jsd_part = 0.5 * jnp.sum(kl1 + kl2)
    loss_part = jnp.sum(dmina) + jnp.sum(dminb)

    @pl.when(i == 0)
    def _():
        jsd_ref[...] = jnp.zeros_like(jsd_ref)
        loss_ref[...] = jnp.zeros_like(loss_ref)

    jsd_ref[...] += jnp.reshape(jsd_part, (1, 1))
    loss_ref[...] += jnp.reshape(loss_part, (1, 1))


def _sc_gather(cb, idx, npad):
    info = plsc.get_sparse_core_info()
    nw = info.num_cores * info.num_subcores
    b_per_w = npad // nw
    mesh = plsc.VectorSubcoreMesh(core_axis_name="c", subcore_axis_name="s")

    @functools.partial(
        pl.kernel, mesh=mesh,
        out_type=jax.ShapeDtypeStruct((npad, EMB), jnp.float32),
        scratch_types=[
            pltpu.VMEM((b_per_w,), jnp.int32),
            pltpu.VMEM((b_per_w, EMB), jnp.float32),
            pltpu.SemaphoreType.DMA,
        ],
    )
    def k(table_hbm, idx_hbm, out_hbm, idx_v, rows_v, sem):
        wid = lax.axis_index("s") * info.num_cores + lax.axis_index("c")
        base = wid * b_per_w
        pltpu.sync_copy(idx_hbm.at[pl.ds(base, b_per_w)], idx_v)
        pltpu.async_copy(table_hbm.at[idx_v], rows_v, sem).wait()
        pltpu.sync_copy(rows_v, out_hbm.at[pl.ds(base, b_per_w)])

    return k(cb, idx)


def _k3_kern(feat_ref, q0_ref, w, bias, vqw, f1_ref):
    cat = jnp.concatenate([feat_ref[...], q0_ref[...]], axis=0)
    feat2 = _dot(w[...], cat) + bias[...]
    f1_ref[...] = _dot(vqw[...], _rnd(_leaky(feat2)))


def _k5_kern(q0_ref, q1_ref, dino_ref, w, bias,
             d0w1, d0b1, d0w2, d0b2, d1w1, d1b1, d1w2, d1b2,
             feat_ref, rec_ref):
    i = pl.program_id(0)
    cat = jnp.concatenate([q0_ref[...], q1_ref[...]], axis=0)
    f = _dot(w[...], cat) + bias[...]
    r = _resblock_cm(f, d0w1[...], d0b1[...], d0w2[...], d0b2[...])
    r = _resblock_cm(r, d1w1[...], d1b1[...], d1w2[...], d1b2[...])
    feat_ref[...] = f
    part = jnp.sum((r - dino_ref[...]) ** 2)

    @pl.when(i == 0)
    def _():
        rec_ref[...] = jnp.zeros_like(rec_ref)

    rec_ref[...] += jnp.reshape(part, (1, 1))


def _full(shape):
    return pl.BlockSpec(shape, lambda i: (0, 0))


def _rows(bs, c):
    return pl.BlockSpec((bs, c), lambda i: (i, 0))


def _cols(c, bs):
    return pl.BlockSpec((c, bs), lambda i: (0, i))


def _scalar():
    return pl.BlockSpec((1, 1), lambda i: (0, 0))


def _run_vq(f, cb):
    cbT = cb.T
    c2 = jnp.sum(cb * cb, axis=1).reshape(1, K)
    idxa, idxb, jsd_sum, loss_sum = pl.pallas_call(
        _vq_kern,
        grid=(NP,),
        in_specs=[
            pl.BlockSpec((P, EMB), lambda i: (i, 0)),
            pl.BlockSpec((P, EMB), lambda i: (i + NP, 0)),
            _full((EMB, K)),
            _full((1, K)),
        ],
        out_specs=[_rows(P, 1), _rows(P, 1), _scalar(), _scalar()],
        out_shape=[
            jax.ShapeDtypeStruct((HALF, 1), jnp.int32),
            jax.ShapeDtypeStruct((HALF, 1), jnp.int32),
            jax.ShapeDtypeStruct((1, 1), jnp.float32),
            jax.ShapeDtypeStruct((1, 1), jnp.float32),
        ],
    )(f, f, cbT, c2)
    idx = jnp.concatenate([idxa.reshape(HALF), idxb.reshape(HALF),
                           jnp.zeros((NPAD - N,), jnp.int32)])
    q = _sc_gather(cb, idx, NPAD)[:N]
    jsd = jsd_sum[0, 0] / HALF
    loss = (1.0 + BETA) * loss_sum[0, 0] / (N * EMB)
    return q, jsd, loss


def kernel(img, params):
    p = params
    ka, kb = jax.random.split(jax.random.key(1234))
    scale = jax.random.uniform(ka, (B, 3, 1, 1), jnp.float32, 0.9, 1.1)
    off = jax.random.uniform(kb, (B, 3, 1, 1), jnp.float32, -0.1, 0.1)
    x = jnp.concatenate([img, img * scale + off], axis=0)

    patchesT = (x.reshape(2 * B, 3, 14, PATCH, 14, PATCH)
                 .transpose(1, 3, 5, 0, 2, 4)
                 .reshape(3 * PATCH * PATCH, N))

    col = lambda b: b.reshape(-1, 1)

    dinoT, featT, f0T = pl.pallas_call(
        _k1_kern,
        grid=(NL,),
        in_specs=[
            _cols(768, TL),
            _full((FEAT, 768)), _full((FEAT, 1)),
            _full((HID, HID)), _full((HID, 1)), _full((HID, HID)), _full((HID, 1)),
            _full((HID, HID)), _full((HID, 1)), _full((HID, HID)), _full((HID, 1)),
            _full((EMB, HID)),
        ],
        out_specs=[_cols(FEAT, TL), _cols(HID, TL), _cols(EMB, TL)],
        out_shape=[
            jax.ShapeDtypeStruct((FEAT, N), jnp.float32),
            jax.ShapeDtypeStruct((HID, N), jnp.float32),
            jax.ShapeDtypeStruct((EMB, N), jnp.float32),
        ],
    )(patchesT,
      p['pe_w'].reshape(FEAT, 768), col(p['pe_b']),
      p['enc0_w1'], col(p['enc0_b1']), p['enc0_w2'], col(p['enc0_b2']),
      p['enc1_w1'], col(p['enc1_b1']), p['enc1_w2'], col(p['enc1_b2']),
      p['vq0_in_w'])

    q0, jsd0, l0 = _run_vq(f0T.T, p['cb0'])
    q0T = q0.T

    f1T = pl.pallas_call(
        _k3_kern,
        grid=(NL,),
        in_specs=[
            _cols(HID, TL), _cols(EMB, TL),
            _full((HID, HID + EMB)), _full((HID, 1)),
            _full((EMB, HID)),
        ],
        out_specs=_cols(EMB, TL),
        out_shape=jax.ShapeDtypeStruct((EMB, N), jnp.float32),
    )(featT, q0T, p['vqout0_w'], col(p['vqout0_b']), p['vq1_in_w'])

    q1, jsd1, l1 = _run_vq(f1T.T, p['cb1'])
    q1T = q1.T

    feat3T, rec_sum = pl.pallas_call(
        _k5_kern,
        grid=(NL,),
        in_specs=[
            _cols(EMB, TL), _cols(EMB, TL), _cols(FEAT, TL),
            _full((HID, 2 * EMB)), _full((HID, 1)),
            _full((HID, HID)), _full((HID, 1)), _full((HID, HID)), _full((HID, 1)),
            _full((HID, HID)), _full((HID, 1)), _full((HID, HID)), _full((HID, 1)),
        ],
        out_specs=[_cols(HID, TL), _scalar()],
        out_shape=[
            jax.ShapeDtypeStruct((HID, N), jnp.float32),
            jax.ShapeDtypeStruct((1, 1), jnp.float32),
        ],
    )(q0T, q1T, dinoT, p['agg_w'], col(p['agg_b']),
      p['dec0_w1'], col(p['dec0_b1']), p['dec0_w2'], col(p['dec0_b2']),
      p['dec1_w1'], col(p['dec1_b1']), p['dec1_w2'], col(p['dec1_b2']))

    feat_out = feat3T.reshape(HID, 2 * B, 14, 14)[:, :B].transpose(1, 0, 2, 3)
    untok = lambda a, c: a[:HALF].reshape(B, 14, 14, c).transpose(0, 3, 1, 2)
    recon_loss = rec_sum[0, 0] / (N * FEAT)
    contra_loss = jsd0 - 0.1 * jsd1
    return (feat_out, untok(q0, EMB), untok(q1, EMB),
            recon_loss, contra_loss, l0 + l1)

# --- scband reference (transcript-rebuilt; emitter-appended) ---
"""Pipeline reference for scband-dinocontra-5368709120327 (READ-ONLY COPY).

The authoritative reference and input builder live on the scoring server;
editing this copy changes nothing except your own understanding.
"""

import jax, jax.numpy as jnp
import numpy as np

BATCH = 16
IMG = 224
PATCH = 16
FEAT = 768
HIDDEN = 768
EMBED = 384
K = 2048
BETA = 0.25

PARAM_KEYS = ['pe_w', 'pe_b', 'enc0_w1', 'enc0_b1', 'enc0_w2', 'enc0_b2', 'enc1_w1', 'enc1_b1', 'enc1_w2', 'enc1_b2', 'vq0_in_w', 'vq1_in_w', 'cb0', 'cb1', 'vqout0_w', 'vqout0_b', 'agg_w', 'agg_b', 'dec0_w1', 'dec0_b1', 'dec0_w2', 'dec0_b2', 'dec1_w1', 'dec1_b1', 'dec1_w2', 'dec1_b2']


def _conv1x1(x, w, b=None):
    y = jnp.einsum('nchw,oc->nohw', x, w)
    if b is not None:
        y = y + b[None, :, None, None]
    return y


def _resblock(x, w1, b1, w2, b2):
    h = jax.nn.leaky_relu(_conv1x1(x, w1, b1), 0.1)
    h = _conv1x1(h, w2, b2)
    return x + h


def _vq(z, cb, beta):
    n, c, h, w = z.shape
    zf = jnp.transpose(z, (0, 2, 3, 1)).reshape(-1, c)
    d = jnp.sum(zf * zf, axis=1, keepdims=True) + jnp.sum(cb * cb, axis=1)[None, :] - 2.0 * (zf @ cb.T)
    idx = jnp.argmin(d, axis=1)
    q = jnp.take(cb, idx, axis=0)
    loss = jnp.mean((jax.lax.stop_gradient(zf) - q) ** 2) + beta * jnp.mean((zf - jax.lax.stop_gradient(q)) ** 2)
    q_st = zf + jax.lax.stop_gradient(q - zf)
    qmap = jnp.transpose(q_st.reshape(n, h, w, c), (0, 3, 1, 2))
    prob = jax.nn.softmax(-d, axis=1)
    return qmap, loss, prob


def _jsd(p, q, eps=1e-8):
    m = 0.5 * (p + q)
    kl1 = jnp.sum(p * (jnp.log(p + eps) - jnp.log(m + eps)), axis=-1)
    kl2 = jnp.sum(q * (jnp.log(q + eps) - jnp.log(m + eps)), axis=-1)
    return jnp.mean(0.5 * (kl1 + kl2))


def _forward(img, params):
    b = img.shape[0]
    ka, kb = jax.random.split(jax.random.key(1234))
    scale = jax.random.uniform(ka, (b, 3, 1, 1), jnp.float32, 0.9, 1.1)
    off = jax.random.uniform(kb, (b, 3, 1, 1), jnp.float32, -0.1, 0.1)
    x = jnp.concatenate([img, img * scale + off], axis=0)
    dino = jax.lax.conv_general_dilated(x, params['pe_w'], (PATCH, PATCH), 'VALID', dimension_numbers=('NCHW', 'OIHW', 'NCHW')) + params['pe_b'][None, :, None, None]
    feat = _resblock(dino, params['enc0_w1'], params['enc0_b1'], params['enc0_w2'], params['enc0_b2'])
    feat = _resblock(feat, params['enc1_w1'], params['enc1_b1'], params['enc1_w2'], params['enc1_b2'])
    f0 = _conv1x1(jax.nn.leaky_relu(feat, 0.1), params['vq0_in_w'])
    q0, l0, p0 = _vq(f0, params['cb0'], BETA)
    feat = _conv1x1(jnp.concatenate([feat, q0], axis=1), params['vqout0_w'], params['vqout0_b'])
    f1 = _conv1x1(jax.nn.leaky_relu(feat, 0.1), params['vq1_in_w'])
    q1, l1, p1 = _vq(f1, params['cb1'], BETA)
    feat = _conv1x1(jnp.concatenate([q0, q1], axis=1), params['agg_w'], params['agg_b'])
    recon = _resblock(feat, params['dec0_w1'], params['dec0_b1'], params['dec0_w2'], params['dec0_b2'])
    recon = _resblock(recon, params['dec1_w1'], params['dec1_b1'], params['dec1_w2'], params['dec1_b2'])
    recon_loss = jnp.mean((recon - dino) ** 2)
    p0a, p0b = jnp.split(p0, 2, axis=0)
    p1a, p1b = jnp.split(p1, 2, axis=0)
    contra_loss = _jsd(p0a, p0b) - 0.1 * _jsd(p1a, p1b)
    return feat[:b], q0[:b], q1[:b], recon_loss, contra_loss, l0 + l1


def setup_inputs(seed: int = 0):
    key = jax.random.key(seed)
    ks = jax.random.split(key, 64)
    it = iter(range(64))
    def nrm(shape, s=0.02):
        return jax.random.normal(ks[next(it)], shape, dtype=jnp.float32) * s
    img = jax.random.normal(ks[next(it)], (BATCH, 3, IMG, IMG), dtype=jnp.float32)
    params = {}
    params['pe_w'] = nrm((FEAT, 3, PATCH, PATCH))
    params['pe_b'] = jnp.zeros((FEAT,), jnp.float32)
    for name in ['enc0', 'enc1', 'dec0', 'dec1']:
        params[name + '_w1'] = nrm((HIDDEN, HIDDEN))
        params[name + '_b1'] = jnp.zeros((HIDDEN,), jnp.float32)
        params[name + '_w2'] = nrm((HIDDEN, HIDDEN))
        params[name + '_b2'] = jnp.zeros((HIDDEN,), jnp.float32)
    params['vq0_in_w'] = nrm((EMBED, HIDDEN))
    params['vq1_in_w'] = nrm((EMBED, HIDDEN))
    params['cb0'] = nrm((K, EMBED), 0.05)
    params['cb1'] = nrm((K, EMBED), 0.05)
    params['vqout0_w'] = nrm((HIDDEN, HIDDEN + EMBED))
    params['vqout0_b'] = jnp.zeros((HIDDEN,), jnp.float32)
    params['agg_w'] = nrm((HIDDEN, 2 * EMBED))
    params['agg_b'] = jnp.zeros((HIDDEN,), jnp.float32)
    return {'img': img, 'params': params}


def reference(img, params):
    return _forward(img, params)

if __name__ == "__main__":
    import jax
    _d = setup_inputs()
    print(jax.jit(kernel)(*tuple(_d.values())))

</pallas_src>

<mosaic_0001>
#map = affine_map<(d0, d1) -> (0, 0)>
#map1 = affine_map<(d0, d1) -> (0)>
module attributes {stable_mosaic.version = 14 : i64} {
  func.func @k(%arg0: i32, %arg1: i32, %arg2: memref<2048x384xf32, #tpu.memory_space<hbm>>, %arg3: memref<6400xi32, #tpu.memory_space<hbm>>, %arg4: memref<6400x384xf32, #tpu.memory_space<hbm>>, %arg5: memref<200xi32, #tpu.memory_space<vmem>>, %arg6: memref<200x384xf32, #tpu.memory_space<vmem>>, %arg7: memref<!tpu.dma_semaphore, #tpu.memory_space<semaphore_mem>>) attributes {dimension_semantics = [#tpu.dimension_semantics<core_parallel>, #tpu.dimension_semantics<subcore_parallel>], iteration_bounds = array<i64: 2, 16>, scalar_prefetch = 0 : i64, scratch_operands = 3 : i64, tpu.core_type = #tpu.core_type<sc_vector_subcore>, window_params = [{transform_indices = #map}, {transform_indices = #map1}, {transform_indices = #map}]} {
    %mul3A = arith.constant 2 : i32
    %mul3A_0 = arith.muli %arg1, %mul3A : i32
    %add3A = arith.addi %mul3A_0, %arg0 : i32
    %mul3A_1 = arith.constant 200 : i32
    %mul3A_2 = arith.muli %add3A, %mul3A_1 : i32
    "tpu.region"() ({
      %run_scoped3A = tpu.sem_alloc : memref<!tpu.dma_semaphore, #tpu.memory_space<semaphore_mem>>
      %dma_start3A_7 = tpu.memref_slice %arg3[%mul3A_2] : memref<6400xi32, #tpu.memory_space<hbm>> -> memref<200xi32, #tpu.memory_space<hbm>>
      %dma_start3A_8 = tpu.memref_slice %arg3[%mul3A_2] : memref<6400xi32, #tpu.memory_space<hbm>> -> memref<200xi32, #tpu.memory_space<hbm>>
      tpu.enqueue_dma source(%dma_start3A_8 : memref<200xi32, #tpu.memory_space<hbm>>) target(%arg5 : memref<200xi32, #tpu.memory_space<vmem>>) target_semaphore(%run_scoped3A : memref<!tpu.dma_semaphore, #tpu.memory_space<semaphore_mem>>)
      %dma_wait3A_9 = tpu.memref_slice %arg3[%mul3A_2] : memref<6400xi32, #tpu.memory_space<hbm>> -> memref<200xi32, #tpu.memory_space<hbm>>
      %dma_wait3A_10 = tpu.memref_slice %arg3[%mul3A_2] : memref<6400xi32, #tpu.memory_space<hbm>> -> memref<200xi32, #tpu.memory_space<hbm>>
      tpu.wait_dma2 semaphore(%run_scoped3A : memref<!tpu.dma_semaphore, #tpu.memory_space<semaphore_mem>>) src(%dma_wait3A_10 : memref<200xi32, #tpu.memory_space<hbm>>) dst(%arg5 : memref<200xi32, #tpu.memory_space<vmem>>)
      tpu.yield
    }) : () -> ()
    %dma_start3A = arith.constant 0 : i32
    %dma_start3A_3 = arith.constant 0 : i32
    %dma_start3A_4 = tpu.memref_slice %arg2[%dma_start3A, %dma_start3A_3] : memref<2048x384xf32, #tpu.memory_space<hbm>> -> memref<2048x384xf32, #tpu.memory_space<hbm>>
    tpu.enqueue_indirect_dma source(%dma_start3A_4 : memref<2048x384xf32, #tpu.memory_space<hbm>>) target(%arg6 : memref<200x384xf32, #tpu.memory_space<vmem>>) offsets(%arg5 : memref<200xi32, #tpu.memory_space<vmem>>) semaphore(%arg7 : memref<!tpu.dma_semaphore, #tpu.memory_space<semaphore_mem>>)
    %dma_wait3A = arith.constant 0 : i32
    %dma_wait3A_5 = arith.constant 0 : i32
    %dma_wait3A_6 = tpu.memref_slice %arg2[%dma_wait3A, %dma_wait3A_5] : memref<2048x384xf32, #tpu.memory_space<hbm>> -> memref<2048x384xf32, #tpu.memory_space<hbm>>
    tpu.wait_indirect_dma semaphore(%arg7 : memref<!tpu.dma_semaphore, #tpu.memory_space<semaphore_mem>>) src(%dma_wait3A_6 : memref<2048x384xf32, #tpu.memory_space<hbm>>) dst(%arg6 : memref<200x384xf32, #tpu.memory_space<vmem>>)
    "tpu.region"() ({
      %run_scoped3A = tpu.sem_alloc : memref<!tpu.dma_semaphore, #tpu.memory_space<semaphore_mem>>
      %dma_start3A_7 = arith.constant 0 : i32
      %dma_start3A_8 = tpu.memref_slice %arg4[%mul3A_2, %dma_start3A_7] : memref<6400x384xf32, #tpu.memory_space<hbm>> -> memref<200x384xf32, #tpu.memory_space<hbm>>
      %dma_start3A_9 = arith.constant 0 : i32
      %dma_start3A_10 = tpu.memref_slice %arg4[%mul3A_2, %dma_start3A_9] : memref<6400x384xf32, #tpu.memory_space<hbm>> -> memref<200x384xf32, #tpu.memory_space<hbm>>
      tpu.enqueue_dma source(%arg6 : memref<200x384xf32, #tpu.memory_space<vmem>>) target(%dma_start3A_10 : memref<200x384xf32, #tpu.memory_space<hbm>>) target_semaphore(%run_scoped3A : memref<!tpu.dma_semaphore, #tpu.memory_space<semaphore_mem>>)
      %dma_wait3A_11 = arith.constant 0 : i32
      %dma_wait3A_12 = tpu.memref_slice %arg4[%mul3A_2, %dma_wait3A_11] : memref<6400x384xf32, #tpu.memory_space<hbm>> -> memref<200x384xf32, #tpu.memory_space<hbm>>
      %dma_wait3A_13 = arith.constant 0 : i32
      %dma_wait3A_14 = tpu.memref_slice %arg4[%mul3A_2, %dma_wait3A_13] : memref<6400x384xf32, #tpu.memory_space<hbm>> -> memref<200x384xf32, #tpu.memory_space<hbm>>
      tpu.wait_dma2 semaphore(%run_scoped3A : memref<!tpu.dma_semaphore, #tpu.memory_space<semaphore_mem>>) src(%arg6 : memref<200x384xf32, #tpu.memory_space<vmem>>) dst(%dma_wait3A_14 : memref<200x384xf32, #tpu.memory_space<hbm>>)
      tpu.yield
    }) : () -> ()
    return
  }
}

#map = affine_map<(d0, d1) -> (0, 0)>
#map1 = affine_map<(d0, d1) -> (0)>
module attributes {stable_mosaic.version = 14 : i64} {
  func.func @k(%arg0: i32, %arg1: i32, %arg2: memref<2048x384xf32, #tpu.memory_space<hbm>>, %arg3: memref<6400xi32, #tpu.memory_space<hbm>>, %arg4: memref<6400x384xf32, #tpu.memory_space<hbm>>, %arg5: memref<200xi32, #tpu.memory_space<vmem>>, %arg6: memref<200x384xf32, #tpu.memory_space<vmem>>, %arg7: memref<!tpu.dma_semaphore, #tpu.memory_space<semaphore_mem>>) attributes {dimension_semantics = [#tpu.dimension_semantics<core_parallel>, #tpu.dimension_semantics<subcore_parallel>], iteration_bounds = array<i64: 2, 16>, scalar_prefetch = 0 : i64, scratch_operands = 3 : i64, tpu.core_type = #tpu.core_type<sc_vector_subcore>, window_params = [{transform_indices = #map}, {transform_indices = #map1}, {transform_indices = #map}]} {
    %mul3A = arith.constant 2 : i32
    %mul3A_0 = arith.muli %arg1, %mul3A : i32
    %add3A = arith.addi %mul3A_0, %arg0 : i32
    %mul3A_1 = arith.constant 200 : i32
    %mul3A_2 = arith.muli %add3A, %mul3A_1 : i32
    "tpu.region"() ({
      %run_scoped3A = tpu.sem_alloc : memref<!tpu.dma_semaphore, #tpu.memory_space<semaphore_mem>>
      %dma_start3A_7 = tpu.memref_slice %arg3[%mul3A_2] : memref<6400xi32, #tpu.memory_space<hbm>> -> memref<200xi32, #tpu.memory_space<hbm>>
      %dma_start3A_8 = tpu.memref_slice %arg3[%mul3A_2] : memref<6400xi32, #tpu.memory_space<hbm>> -> memref<200xi32, #tpu.memory_space<hbm>>
      tpu.enqueue_dma source(%dma_start3A_8 : memref<200xi32, #tpu.memory_space<hbm>>) target(%arg5 : memref<200xi32, #tpu.memory_space<vmem>>) target_semaphore(%run_scoped3A : memref<!tpu.dma_semaphore, #tpu.memory_space<semaphore_mem>>)
      %dma_wait3A_9 = tpu.memref_slice %arg3[%mul3A_2] : memref<6400xi32, #tpu.memory_space<hbm>> -> memref<200xi32, #tpu.memory_space<hbm>>
      %dma_wait3A_10 = tpu.memref_slice %arg3[%mul3A_2] : memref<6400xi32, #tpu.memory_space<hbm>> -> memref<200xi32, #tpu.memory_space<hbm>>
      tpu.wait_dma2 semaphore(%run_scoped3A : memref<!tpu.dma_semaphore, #tpu.memory_space<semaphore_mem>>) src(%dma_wait3A_10 : memref<200xi32, #tpu.memory_space<hbm>>) dst(%arg5 : memref<200xi32, #tpu.memory_space<vmem>>)
      tpu.yield
    }) : () -> ()
    %dma_start3A = arith.constant 0 : i32
    %dma_start3A_3 = arith.constant 0 : i32
    %dma_start3A_4 = tpu.memref_slice %arg2[%dma_start3A, %dma_start3A_3] : memref<2048x384xf32, #tpu.memory_space<hbm>> -> memref<2048x384xf32, #tpu.memory_space<hbm>>
    tpu.enqueue_indirect_dma source(%dma_start3A_4 : memref<2048x384xf32, #tpu.memory_space<hbm>>) target(%arg6 : memref<200x384xf32, #tpu.memory_space<vmem>>) offsets(%arg5 : memref<200xi32, #tpu.memory_space<vmem>>) semaphore(%arg7 : memref<!tpu.dma_semaphore, #tpu.memory_space<semaphore_mem>>)
    %dma_wait3A = arith.constant 0 : i32
    %dma_wait3A_5 = arith.constant 0 : i32
    %dma_wait3A_6 = tpu.memref_slice %arg2[%dma_wait3A, %dma_wait3A_5] : memref<2048x384xf32, #tpu.memory_space<hbm>> -> memref<2048x384xf32, #tpu.memory_space<hbm>>
    tpu.wait_indirect_dma semaphore(%arg7 : memref<!tpu.dma_semaphore, #tpu.memory_space<semaphore_mem>>) src(%dma_wait3A_6 : memref<2048x384xf32, #tpu.memory_space<hbm>>) dst(%arg6 : memref<200x384xf32, #tpu.memory_space<vmem>>)
    "tpu.region"() ({
      %run_scoped3A = tpu.sem_alloc : memref<!tpu.dma_semaphore, #tpu.memory_space<semaphore_mem>>
      %dma_start3A_7 = arith.constant 0 : i32
      %dma_start3A_8 = tpu.memref_slice %arg4[%mul3A_2, %dma_start3A_7] : memref<6400x384xf32, #tpu.memory_space<hbm>> -> memref<200x384xf32, #tpu.memory_space<hbm>>
      %dma_start3A_9 = arith.constant 0 : i32
      %dma_start3A_10 = tpu.memref_slice %arg4[%mul3A_2, %dma_start3A_9] : memref<6400x384xf32, #tpu.memory_space<hbm>> -> memref<200x384xf32, #tpu.memory_space<hbm>>
      tpu.enqueue_dma source(%arg6 : memref<200x384xf32, #tpu.memory_space<vmem>>) target(%dma_start3A_10 : memref<200x384xf32, #tpu.memory_space<hbm>>) target_semaphore(%run_scoped3A : memref<!tpu.dma_semaphore, #tpu.memory_space<semaphore_mem>>)
      %dma_wait3A_11 = arith.constant 0 : i32
      %dma_wait3A_12 = tpu.memref_slice %arg4[%mul3A_2, %dma_wait3A_11] : memref<6400x384xf32, #tpu.memory_space<hbm>> -> memref<200x384xf32, #tpu.memory_space<hbm>>
      %dma_wait3A_13 = arith.constant 0 : i32
      %dma_wait3A_14 = tpu.memref_slice %arg4[%mul3A_2, %dma_wait3A_13] : memref<6400x384xf32, #tpu.memory_space<hbm>> -> memref<200x384xf32, #tpu.memory_space<hbm>>
      tpu.wait_dma2 semaphore(%run_scoped3A : memref<!tpu.dma_semaphore, #tpu.memory_space<semaphore_mem>>) src(%arg6 : memref<200x384xf32, #tpu.memory_space<vmem>>) dst(%dma_wait3A_14 : memref<200x384xf32, #tpu.memory_space<hbm>>)
      tpu.yield
    }) : () -> ()
    return
  }
}

module attributes {stable_mosaic.version = 14 : i64} {
  func.func @_k1_kern(%arg0: i32, %arg1: memref<768x896xf32, #tpu.memory_space<vmem>>, %arg2: memref<768x768xf32, #tpu.memory_space<vmem>>, %arg3: memref<768x1xf32, #tpu.memory_space<vmem>>, %arg4: memref<768x768xf32, #tpu.memory_space<vmem>>, %arg5: memref<768x1xf32, #tpu.memory_space<vmem>>, %arg6: memref<768x768xf32, #tpu.memory_space<vmem>>, %arg7: memref<768x1xf32, #tpu.memory_space<vmem>>, %arg8: memref<768x768xf32, #tpu.memory_space<vmem>>, %arg9: memref<768x1xf32, #tpu.memory_space<vmem>>, %arg10: memref<768x768xf32, #tpu.memory_space<vmem>>, %arg11: memref<768x1xf32, #tpu.memory_space<vmem>>, %arg12: memref<384x768xf32, #tpu.memory_space<vmem>>, %arg13: memref<768x896xf32, #tpu.memory_space<vmem>>, %arg14: memref<768x896xf32, #tpu.memory_space<vmem>>, %arg15: memref<384x896xf32, #tpu.memory_space<vmem>>) attributes {dimension_semantics = [#tpu.dimension_semantics<arbitrary>], iteration_bounds = array<i64: 7>, scalar_prefetch = 0 : i64, scratch_operands = 0 : i64, tpu.core_type = #tpu.core_type<tc>, window_params = [{transform_indices = @transform_0, window_bounds = array<i64: 768, 896>}, {pipeline_mode = #tpu.pipeline_mode<synchronous>, transform_indices = @transform_1, window_bounds = array<i64: 768, 768>}, {pipeline_mode = #tpu.pipeline_mode<synchronous>, transform_indices = @transform_2, window_bounds = array<i64: 768, 1>}, {pipeline_mode = #tpu.pipeline_mode<synchronous>, transform_indices = @transform_3, window_bounds = array<i64: 768, 768>}, {pipeline_mode = #tpu.pipeline_mode<synchronous>, transform_indices = @transform_4, window_bounds = array<i64: 768, 1>}, {pipeline_mode = #tpu.pipeline_mode<synchronous>, transform_indices = @transform_5, window_bounds = array<i64: 768, 768>}, {pipeline_mode = #tpu.pipeline_mode<synchronous>, transform_indices = @transform_6, window_bounds = array<i64: 768, 1>}, {pipeline_mode = #tpu.pipeline_mode<synchronous>, transform_indices = @transform_7, window_bounds = array<i64: 768, 768>}, {pipeline_mode = #tpu.pipeline_mode<synchronous>, transform_indices = @transform_8, window_bounds = array<i64: 768, 1>}, {pipeline_mode = #tpu.pipeline_mode<synchronous>, transform_indices = @transform_9, window_bounds = array<i64: 768, 768>}, {pipeline_mode = #tpu.pipeline_mode<synchronous>, transform_indices = @transform_10, window_bounds = array<i64: 768, 1>}, {pipeline_mode = #tpu.pipeline_mode<synchronous>, transform_indices = @transform_11, window_bounds = array<i64: 384, 768>}, {transform_indices = @transform_12, window_bounds = array<i64: 768, 896>}, {transform_indices = @transform_13, window_bounds = array<i64: 768, 896>}, {transform_indices = @transform_14, window_bounds = array<i64: 384, 896>}]} {
    %get3A = arith.constant 0 : index
    %get3A_0 = arith.constant 0 : index
    %get3A_1 = vector.load %arg2[%get3A, %get3A_0] : memref<768x768xf32, #tpu.memory_space<vmem>>, vector<768x768xf32>
    %get3A_2 = arith.constant 0 : index
    %get3A_3 = arith.constant 0 : index
    %get3A_4 = vector.load %arg1[%get3A_2, %get3A_3] : memref<768x896xf32, #tpu.memory_space<vmem>>, vector<768x896xf32>
    %dot_general3A = arith.constant dense<0.000000e+00> : vector<768x896xf32>
    %dot_general3A_5 = tpu.matmul %get3A_1, %get3A_4, %dot_general3A {dimension_numbers = #tpu.dot_dimension_numbers<[1], [0], [0], [1], [0, 0, 1, 1], [], []>, transpose_lhs_hint = false} : vector<768x768xf32>, vector<768x896xf32>, vector<768x896xf32> -> vector<768x896xf32>
    %get3A_6 = arith.constant 0 : index
    %get3A_7 = arith.constant 0 : index
    %get3A_8 = vector.load %arg3[%get3A_6, %get3A_7] : memref<768x1xf32, #tpu.memory_space<vmem>>, vector<768x1xf32>
    %add3A = vector.broadcast %get3A_8 : vector<768x1xf32> to vector<768x896xf32>
    %add3A_9 = arith.addf %dot_general3A_5, %add3A : vector<768x896xf32>
    %get3A_10 = arith.constant 0 : index
    %get3A_11 = arith.constant 0 : index
    %get3A_12 = vector.load %arg4[%get3A_10, %get3A_11] : memref<768x768xf32, #tpu.memory_space<vmem>>, vector<768x768xf32>
    %get3A_13 = arith.constant 0 : index
    %get3A_14 = arith.constant 0 : index
    %get3A_15 = vector.load %arg5[%get3A_13, %get3A_14] : memref<768x1xf32, #tpu.memory_space<vmem>>, vector<768x1xf32>
    %get3A_16 = arith.constant 0 : index
    %get3A_17 = arith.constant 0 : index
    %get3A_18 = vector.load %arg6[%get3A_16, %get3A_17] : memref<768x768xf32, #tpu.memory_space<vmem>>, vector<768x768xf32>
    %get3A_19 = arith.constant 0 : index
    %get3A_20 = arith.constant 0 : index
    %get3A_21 = vector.load %arg7[%get3A_19, %get3A_20] : memref<768x1xf32, #tpu.memory_space<vmem>>, vector<768x1xf32>
    %dot_general3A_22 = arith.constant dense<0.000000e+00> : vector<768x896xf32>
    %dot_general3A_23 = tpu.matmul %get3A_12, %add3A_9, %dot_general3A_22 {dimension_numbers = #tpu.dot_dimension_numbers<[1], [0], [0], [1], [0, 0, 1, 1], [], []>, transpose_lhs_hint = false} : vector<768x768xf32>, vector<768x896xf32>, vector<768x896xf32> -> vector<768x896xf32>
    %add3A_24 = vector.broadcast %get3A_15 : vector<768x1xf32> to vector<768x896xf32>
    %add3A_25 = arith.addf %dot_general3A_23, %add3A_24 : vector<768x896xf32>
    %ge3A = arith.constant 0.000000e+00 : f32
    %ge3A_26 = vector.broadcast %ge3A : f32 to vector<768x896xf32>
    %ge3A_27 = arith.cmpf oge, %add3A_25, %ge3A_26 : vector<768x896xf32>
    %mul3A = arith.constant 1.000000e-01 : f32
    %mul3A_28 = vector.broadcast %mul3A : f32 to vector<768x896xf32>
    %mul3A_29 = arith.mulf %mul3A_28, %add3A_25 : vector<768x896xf32>
    %select_n3A = arith.select %ge3A_27, %add3A_25, %mul3A_29 : vector<768x896xi1>, vector<768x896xf32>
    %convert_element_type3A = arith.truncf %select_n3A : vector<768x896xf32> to vector<768x896xbf16>
    %convert_element_type3A_30 = arith.extf %convert_element_type3A : vector<768x896xbf16> to vector<768x896xf32>
    %dot_general3A_31 = arith.constant dense<0.000000e+00> : vector<768x896xf32>
    %dot_general3A_32 = tpu.matmul %get3A_18, %convert_element_type3A_30, %dot_general3A_31 {dimension_numbers = #tpu.dot_dimension_numbers<[1], [0], [0], [1], [0, 0, 1, 1], [], []>, transpose_lhs_hint = false} : vector<768x768xf32>, vector<768x896xf32>, vector<768x896xf32> -> vector<768x896xf32>
    %add3A_33 = vector.broadcast %get3A_21 : vector<768x1xf32> to vector<768x896xf32>
    %add3A_34 = arith.addf %dot_general3A_32, %add3A_33 : vector<768x896xf32>
    %add3A_35 = arith.addf %add3A_9, %add3A_34 : vector<768x896xf32>
    %get3A_36 = arith.constant 0 : index
    %get3A_37 = arith.constant 0 : index
    %get3A_38 = vector.load %arg8[%get3A_36, %get3A_37] : memref<768x768xf32, #tpu.memory_space<vmem>>, vector<768x768xf32>
    %get3A_39 = arith.constant 0 : index
    %get3A_40 = arith.constant 0 : index
    %get3A_41 = vector.load %arg9[%get3A_39, %get3A_40] : memref<768x1xf32, #tpu.memory_space<vmem>>, vector<768x1xf32>
    %get3A_42 = arith.constant 0 : index
    %get3A_43 = arith.constant 0 : index
    %get3A_44 = vector.load %arg10[%get3A_42, %get3A_43] : memref<768x768xf32, #tpu.memory_space<vmem>>, vector<768x768xf32>
    %get3A_45 = arith.constant 0 : index
    %get3A_46 = arith.constant 0 : index
    %get3A_47 = vector.load %arg11[%get3A_45, %get3A_46] : memref<768x1xf32, #tpu.memory_space<vmem>>, vector<768x1xf32>
    %dot_general3A_48 = arith.constant dense<0.000000e+00> : vector<768x896xf32>
    %dot_general3A_49 = tpu.matmul %get3A_38, %add3A_35, %dot_general3A_48 {dimension_numbers = #tpu.dot_dimension_numbers<[1], [0], [0], [1], [0, 0, 1, 1], [], []>, transpose_lhs_hint = false} : vector<768x768xf32>, vector<768x896xf32>, vector<768x896xf32> -> vector<768x896xf32>
    %add3A_50 = vector.broadcast %get3A_41 : vector<768x1xf32> to vector<768x896xf32>
    %add3A_51 = arith.addf %dot_general3A_49, %add3A_50 : vector<768x896xf32>
    %ge3A_52 = arith.constant 0.000000e+00 : f32
    %ge3A_53 = vector.broadcast %ge3A_52 : f32 to vector<768x896xf32>
    %ge3A_54 = arith.cmpf oge, %add3A_51, %ge3A_53 : vector<768x896xf32>
    %mul3A_55 = arith.constant 1.000000e-01 : f32
    %mul3A_56 = vector.broadcast %mul3A_55 : f32 to vector<768x896xf32>
    %mul3A_57 = arith.mulf %mul3A_56, %add3A_51 : vector<768x896xf32>
    %select_n3A_58 = arith.select %ge3A_54, %add3A_51, %mul3A_57 : vector<768x896xi1>, vector<768x896xf32>
    %convert_element_type3A_59 = arith.truncf %select_n3A_58 : vector<768x896xf32> to vector<768x896xbf16>
    %convert_element_type3A_60 = arith.extf %convert_element_type3A_59 : vector<768x896xbf16> to vector<768x896xf32>
    %dot_general3A_61 = arith.constant dense<0.000000e+00> : vector<768x896xf32>
    %dot_general3A_62 = tpu.matmul %get3A_44, %convert_element_type3A_60, %dot_general3A_61 {dimension_numbers = #tpu.dot_dimension_numbers<[1], [0], [0], [1], [0, 0, 1, 1], [], []>, transpose_lhs_hint = false} : vector<768x768xf32>, vector<768x896xf32>, vector<768x896xf32> -> vector<768x896xf32>
    %add3A_63 = vector.broadcast %get3A_47 : vector<768x1xf32> to vector<768x896xf32>
    %add3A_64 = arith.addf %dot_general3A_62, %add3A_63 : vector<768x896xf32>
    %add3A_65 = arith.addf %add3A_35, %add3A_64 : vector<768x896xf32>
    %swap3A = arith.constant 0 : index
    %swap3A_66 = arith.constant 0 : index
    %swap3A_67 = vector.load %arg13[%swap3A, %swap3A_66] : memref<768x896xf32, #tpu.memory_space<vmem>>, vector<768x896xf32>
    tpu.vector_store %arg13[%swap3A, %swap3A_66], %add3A_9 {strides = array<i32>} : memref<768x896xf32, #tpu.memory_space<vmem>>, vector<768x896xf32>,
    %swap3A_68 = arith.constant 0 : index
    %swap3A_69 = arith.constant 0 : index
    %swap3A_70 = vector.load %arg14[%swap3A_68, %swap3A_69] : memref<768x896xf32, #tpu.memory_space<vmem>>, vector<768x896xf32>
    tpu.vector_store %arg14[%swap3A_68, %swap3A_69], %add3A_65 {strides = array<i32>} : memref<768x896xf32, #tpu.memory_space<vmem>>, vector<768x896xf32>,
    %get3A_71 = arith.constant 0 : index
    %get3A_72 = arith.constant 0 : index
    %get3A_73 = vector.load %arg12[%get3A_71, %get3A_72] : memref<384x768xf32, #tpu.memory_space<vmem>>, vector<384x768xf32>
    %ge3A_74 = arith.constant 0.000000e+00 : f32
    %ge3A_75 = vector.broadcast %ge3A_74 : f32 to vector<768x896xf32>
    %ge3A_76 = arith.cmpf oge, %add3A_65, %ge3A_75 : vector<768x896xf32>
    %mul3A_77 = arith.constant 1.000000e-01 : f32
    %mul3A_78 = vector.broadcast %mul3A_77 : f32 to vector<768x896xf32>
    %mul3A_79 = arith.mulf %mul3A_78, %add3A_65 : vector<768x896xf32>
    %select_n3A_80 = arith.select %ge3A_76, %add3A_65, %mul3A_79 : vector<768x896xi1>, vector<768x896xf32>
    %convert_element_type3A_81 = arith.truncf %select_n3A_80 : vector<768x896xf32> to vector<768x896xbf16>
    %convert_element_type3A_82 = arith.extf %convert_element_type3A_81 : vector<768x896xbf16> to vector<768x896xf32>
    %dot_general3A_83 = arith.constant dense<0.000000e+00> : vector<384x896xf32>
    %dot_general3A_84 = tpu.matmul %get3A_73, %convert_element_type3A_82, %dot_general3A_83 {dimension_numbers = #tpu.dot_dimension_numbers<[1], [0], [0], [1], [0, 0, 1, 1], [], []>, transpose_lhs_hint = false} : vector<384x768xf32>, vector<768x896xf32>, vector<384x896xf32> -> vector<384x896xf32>
    %swap3A_85 = arith.constant 0 : index
    %swap3A_86 = arith.constant 0 : index
    %swap3A_87 = vector.load %arg15[%swap3A_85, %swap3A_86] : memref<384x896xf32, #tpu.memory_space<vmem>>, vector<384x896xf32>
    tpu.vector_store %arg15[%swap3A_85, %swap3A_86], %dot_general3A_84 {strides = array<i32>} : memref<384x896xf32, #tpu.memory_space<vmem>>, vector<384x896xf32>,
    return
  }
  func.func @transform_0(%arg0: i32) -> (i32, i32) {
    %c0_i32 = arith.constant 0 : i32
    %c0_i32_0 = arith.constant 0 : i32
    return %c0_i32, %arg0 : i32, i32
  }
  func.func @transform_1(%arg0: i32) -> (i32, i32) {
    %c0_i32 = arith.constant 0 : i32
    %c0_i32_0 = arith.constant 0 : i32
    %c0_i32_1 = arith.constant 0 : i32
    return %c0_i32, %c0_i32_0 : i32, i32
  }
  func.func @transform_2(%arg0: i32) -> (i32, i32) {
    %c0_i32 = arith.constant 0 : i32
    %c0_i32_0 = arith.constant 0 : i32
    %c0_i32_1 = arith.constant 0 : i32
    return %c0_i32, %c0_i32_0 : i32, i32
  }
  func.func @transform_3(%arg0: i32) -> (i32, i32) {
    %c0_i32 = arith.constant 0 : i32
    %c0_i32_0 = arith.constant 0 : i32
    %c0_i32_1 = arith.constant 0 : i32
    return %c0_i32, %c0_i32_0 : i32, i32
  }
  func.func @transform_4(%arg0: i32) -> (i32, i32) {
    %c0_i32 = arith.constant 0 : i32
    %c0_i32_0 = arith.constant 0 : i32
    %c0_i32_1 = arith.constant 0 : i32
    return %c0_i32, %c0_i32_0 : i32, i32
  }
  func.func @transform_5(%arg0: i32) -> (i32, i32) {
    %c0_i32 = arith.constant 0 : i32
    %c0_i32_0 = arith.constant 0 : i32
    %c0_i32_1 = arith.constant 0 : i32
    return %c0_i32, %c0_i32_0 : i32, i32
  }
  func.func @transform_6(%arg0: i32) -> (i32, i32) {
    %c0_i32 = arith.constant 0 : i32
    %c0_i32_0 = arith.constant 0 : i32
    %c0_i32_1 = arith.constant 0 : i32
    return %c0_i32, %c0_i32_0 : i32, i32
  }
  func.func @transform_7(%arg0: i32) -> (i32, i32) {
    %c0_i32 = arith.constant 0 : i32
    %c0_i32_0 = arith.constant 0 : i32
    %c0_i32_1 = arith.constant 0 : i32
    return %c0_i32, %c0_i32_0 : i32, i32
  }
  func.func @transform_8(%arg0: i32) -> (i32, i32) {
    %c0_i32 = arith.constant 0 : i32
    %c0_i32_0 = arith.constant 0 : i32
    %c0_i32_1 = arith.constant 0 : i32
    return %c0_i32, %c0_i32_0 : i32, i32
  }
  func.func @transform_9(%arg0: i32) -> (i32, i32) {
    %c0_i32 = arith.constant 0 : i32
    %c0_i32_0 = arith.constant 0 : i32
    %c0_i32_1 = arith.constant 0 : i32
    return %c0_i32, %c0_i32_0 : i32, i32
  }
  func.func @transform_10(%arg0: i32) -> (i32, i32) {
    %c0_i32 = arith.constant 0 : i32
    %c0_i32_0 = arith.constant 0 : i32
    %c0_i32_1 = arith.constant 0 : i32
    return %c0_i32, %c0_i32_0 : i32, i32
  }
  func.func @transform_11(%arg0: i32) -> (i32, i32) {
    %c0_i32 = arith.constant 0 : i32
    %c0_i32_0 = arith.constant 0 : i32
    %c0_i32_1 = arith.constant 0 : i32
    return %c0_i32, %c0_i32_0 : i32, i32
  }
  func.func @transform_12(%arg0: i32) -> (i32, i32) {
    %c0_i32 = arith.constant 0 : i32
    %c0_i32_0 = arith.constant 0 : i32
    return %c0_i32, %arg0 : i32, i32
  }
  func.func @transform_13(%arg0: i32) -> (i32, i32) {
    %c0_i32 = arith.constant 0 : i32
    %c0_i32_0 = arith.constant 0 : i32
    return %c0_i32, %arg0 : i32, i32
  }
  func.func @transform_14(%arg0: i32) -> (i32, i32) {
    %c0_i32 = arith.constant 0 : i32
    %c0_i32_0 = arith.constant 0 : i32
    return %c0_i32, %arg0 : i32, i32
  }
}

module attributes {stable_mosaic.version = 14 : i64} {
  func.func @_vq_kern(%arg0: i32, %arg1: memref<392x384xf32, #tpu.memory_space<vmem>>, %arg2: memref<392x384xf32, #tpu.memory_space<vmem>>, %arg3: memref<384x2048xf32, #tpu.memory_space<vmem>>, %arg4: memref<1x2048xf32, #tpu.memory_space<vmem>>, %arg5: memref<392x1xi32, #tpu.memory_space<vmem>>, %arg6: memref<392x1xi32, #tpu.memory_space<vmem>>, %arg7: memref<1x1xf32, #tpu.memory_space<vmem>>, %arg8: memref<1x1xf32, #tpu.memory_space<vmem>>) attributes {dimension_semantics = [#tpu.dimension_semantics<arbitrary>], iteration_bounds = array<i64: 8>, scalar_prefetch = 0 : i64, scratch_operands = 0 : i64, tpu.core_type = #tpu.core_type<tc>, window_params = [{transform_indices = @transform_0, window_bounds = array<i64: 392, 384>}, {transform_indices = @transform_1, window_bounds = array<i64: 392, 384>}, {pipeline_mode = #tpu.pipeline_mode<synchronous>, transform_indices = @transform_2, window_bounds = array<i64: 384, 2048>}, {pipeline_mode = #tpu.pipeline_mode<synchronous>, transform_indices = @transform_3, window_bounds = array<i64: 1, 2048>}, {transform_indices = @transform_4, window_bounds = array<i64: 392, 1>}, {transform_indices = @transform_5, window_bounds = array<i64: 392, 1>}, {pipeline_mode = #tpu.pipeline_mode<synchronous>, transform_indices = @transform_6, window_bounds = array<i64: 1, 1>}, {pipeline_mode = #tpu.pipeline_mode<synchronous>, transform_indices = @transform_7, window_bounds = array<i64: 1, 1>}]} {
    %get3A = arith.constant 0 : index
    %get3A_0 = arith.constant 0 : index
    %get3A_1 = vector.load %arg3[%get3A, %get3A_0] : memref<384x2048xf32, #tpu.memory_space<vmem>>, vector<384x2048xf32>
    %get3A_2 = arith.constant 0 : index
    %get3A_3 = arith.constant 0 : index
    %get3A_4 = vector.load %arg4[%get3A_2, %get3A_3] : memref<1x2048xf32, #tpu.memory_space<vmem>>, vector<1x2048xf32>
    %get3A_5 = arith.constant 0 : index
    %get3A_6 = arith.constant 0 : index
    %get3A_7 = vector.load %arg1[%get3A_5, %get3A_6] : memref<392x384xf32, #tpu.memory_space<vmem>>, vector<392x384xf32>
    %mul3A = arith.mulf %get3A_7, %get3A_7 : vector<392x384xf32>
    %reduce_sum3A = arith.constant dense<0.000000e+00> : vector<392xf32>
    %reduce_sum3A_8 = vector.multi_reduction <add>, %mul3A, %reduce_sum3A [1] : vector<392x384xf32> to vector<392xf32>
    %broadcast_in_dim3A = vector.shape_cast %reduce_sum3A_8 : vector<392xf32> to vector<392x1xf32>
    %add3A = vector.broadcast %broadcast_in_dim3A : vector<392x1xf32> to vector<392x2048xf32>
    %add3A_9 = vector.broadcast %get3A_4 : vector<1x2048xf32> to vector<392x2048xf32>
    %add3A_10 = arith.addf %add3A, %add3A_9 : vector<392x2048xf32>
    %dot_general3A = arith.constant dense<0.000000e+00> : vector<392x2048xf32>
    %dot_general3A_11 = tpu.matmul %get3A_7, %get3A_1, %dot_general3A {dimension_numbers = #tpu.dot_dimension_numbers<[1], [0], [0], [1], [0, 0, 1, 1], [], []>, transpose_lhs_hint = false} : vector<392x384xf32>, vector<384x2048xf32>, vector<392x2048xf32> -> vector<392x2048xf32>
    %mul3A_12 = arith.constant 2.000000e+00 : f32
    %mul3A_13 = vector.broadcast %mul3A_12 : f32 to vector<392x2048xf32>
    %mul3A_14 = arith.mulf %mul3A_13, %dot_general3A_11 : vector<392x2048xf32>
    %sub3A = arith.subf %add3A_10, %mul3A_14 : vector<392x2048xf32>
    %reduce_min3A = arith.constant dense<0x7F800000> : vector<392xf32>
    %reduce_min3A_15 = vector.multi_reduction <minimumf>, %sub3A, %reduce_min3A [1] : vector<392x2048xf32> to vector<392xf32>
    %broadcast_in_dim3A_16 = vector.shape_cast %reduce_min3A_15 : vector<392xf32> to vector<392x1xf32>
    %iota3A = tpu.iota {dimensions = array<i32: 1>} : vector<392x2048xi32>
    %eq3A = vector.broadcast %broadcast_in_dim3A_16 : vector<392x1xf32> to vector<392x2048xf32>
    %eq3A_17 = arith.cmpf oeq, %sub3A, %eq3A : vector<392x2048xf32>
    %jit3A = arith.constant 2048 : i32
    %broadcast_in_dim3A_18 = vector.broadcast %jit3A : i32 to vector<392x2048xi32>
    %select_n3A = arith.select %eq3A_17, %iota3A, %broadcast_in_dim3A_18 : vector<392x2048xi1>, vector<392x2048xi32>
    %reduce_min3A_19 = arith.constant dense<2147483647> : vector<392xi32>
    %reduce_min3A_20 = vector.multi_reduction <minsi>, %select_n3A, %reduce_min3A_19 [1] : vector<392x2048xi32> to vector<392xi32>
    %sub3A_21 = vector.broadcast %broadcast_in_dim3A_16 : vector<392x1xf32> to vector<392x2048xf32>
    %sub3A_22 = arith.subf %sub3A_21, %sub3A : vector<392x2048xf32>
    %exp3A = math.exp %sub3A_22 : vector<392x2048xf32>
    %reduce_sum3A_23 = arith.constant dense<0.000000e+00> : vector<392xf32>
    %reduce_sum3A_24 = vector.multi_reduction <add>, %exp3A, %reduce_sum3A_23 [1] : vector<392x2048xf32> to vector<392xf32>
    %broadcast_in_dim3A_25 = vector.shape_cast %reduce_sum3A_24 : vector<392xf32> to vector<392x1xf32>
    %div3A = vector.broadcast %broadcast_in_dim3A_25 : vector<392x1xf32> to vector<392x2048xf32>
    %div3A_26 = arith.divf %exp3A, %div3A : vector<392x2048xf32>
    %get3A_27 = arith.constant 0 : index
    %get3A_28 = arith.constant 0 : index
    %get3A_29 = vector.load %arg2[%get3A_27, %get3A_28] : memref<392x384xf32, #tpu.memory_space<vmem>>, vector<392x384xf32>
    %mul3A_30 = arith.mulf %get3A_29, %get3A_29 : vector<392x384xf32>
    %reduce_sum3A_31 = arith.constant dense<0.000000e+00> : vector<392xf32>
    %reduce_sum3A_32 = vector.multi_reduction <add>, %mul3A_30, %reduce_sum3A_31 [1] : vector<392x384xf32> to vector<392xf32>
    %broadcast_in_dim3A_33 = vector.shape_cast %reduce_sum3A_32 : vector<392xf32> to vector<392x1xf32>
    %add3A_34 = vector.broadcast %broadcast_in_dim3A_33 : vector<392x1xf32> to vector<392x2048xf32>
    %add3A_35 = vector.broadcast %get3A_4 : vector<1x2048xf32> to vector<392x2048xf32>
    %add3A_36 = arith.addf %add3A_34, %add3A_35 : vector<392x2048xf32>
    %dot_general3A_37 = arith.constant dense<0.000000e+00> : vector<392x2048xf32>
    %dot_general3A_38 = tpu.matmul %get3A_29, %get3A_1, %dot_general3A_37 {dimension_numbers = #tpu.dot_dimension_numbers<[1], [0], [0], [1], [0, 0, 1, 1], [], []>, transpose_lhs_hint = false} : vector<392x384xf32>, vector<384x2048xf32>, vector<392x2048xf32> -> vector<392x2048xf32>
    %mul3A_39 = arith.constant 2.000000e+00 : f32
    %mul3A_40 = vector.broadcast %mul3A_39 : f32 to vector<392x2048xf32>
    %mul3A_41 = arith.mulf %mul3A_40, %dot_general3A_38 : vector<392x2048xf32>
    %sub3A_42 = arith.subf %add3A_36, %mul3A_41 : vector<392x2048xf32>
    %reduce_min3A_43 = arith.constant dense<0x7F800000> : vector<392xf32>
    %reduce_min3A_44 = vector.multi_reduction <minimumf>, %sub3A_42, %reduce_min3A_43 [1] : vector<392x2048xf32> to vector<392xf32>
    %broadcast_in_dim3A_45 = vector.shape_cast %reduce_min3A_44 : vector<392xf32> to vector<392x1xf32>
    %iota3A_46 = tpu.iota {dimensions = array<i32: 1>} : vector<392x2048xi32>
    %eq3A_47 = vector.broadcast %broadcast_in_dim3A_45 : vector<392x1xf32> to vector<392x2048xf32>
    %eq3A_48 = arith.cmpf oeq, %sub3A_42, %eq3A_47 : vector<392x2048xf32>
    %jit3A_49 = arith.constant 2048 : i32
    %broadcast_in_dim3A_50 = vector.broadcast %jit3A_49 : i32 to vector<392x2048xi32>
    %select_n3A_51 = arith.select %eq3A_48, %iota3A_46, %broadcast_in_dim3A_50 : vector<392x2048xi1>, vector<392x2048xi32>
    %reduce_min3A_52 = arith.constant dense<2147483647> : vector<392xi32>
    %reduce_min3A_53 = vector.multi_reduction <minsi>, %select_n3A_51, %reduce_min3A_52 [1] : vector<392x2048xi32> to vector<392xi32>
    %sub3A_54 = vector.broadcast %broadcast_in_dim3A_45 : vector<392x1xf32> to vector<392x2048xf32>
    %sub3A_55 = arith.subf %sub3A_54, %sub3A_42 : vector<392x2048xf32>
    %exp3A_56 = math.exp %sub3A_55 : vector<392x2048xf32>
    %reduce_sum3A_57 = arith.constant dense<0.000000e+00> : vector<392xf32>
    %reduce_sum3A_58 = vector.multi_reduction <add>, %exp3A_56, %reduce_sum3A_57 [1] : vector<392x2048xf32> to vector<392xf32>
    %broadcast_in_dim3A_59 = vector.shape_cast %reduce_sum3A_58 : vector<392xf32> to vector<392x1xf32>
    %div3A_60 = vector.broadcast %broadcast_in_dim3A_59 : vector<392x1xf32> to vector<392x2048xf32>
    %div3A_61 = arith.divf %exp3A_56, %div3A_60 : vector<392x2048xf32>
    %broadcast_in_dim3A_62 = vector.shape_cast %reduce_min3A_20 : vector<392xi32> to vector<392x1xi32>
    %swap3A = arith.constant 0 : index
    %swap3A_63 = arith.constant 0 : index
    %swap3A_64 = vector.load %arg5[%swap3A, %swap3A_63] : memref<392x1xi32, #tpu.memory_space<vmem>>, vector<392x1xi32>
    tpu.vector_store %arg5[%swap3A, %swap3A_63], %broadcast_in_dim3A_62 {strides = array<i32>} : memref<392x1xi32, #tpu.memory_space<vmem>>, vector<392x1xi32>,
    %broadcast_in_dim3A_65 = vector.shape_cast %reduce_min3A_53 : vector<392xi32> to vector<392x1xi32>
    %swap3A_66 = arith.constant 0 : index
    %swap3A_67 = arith.constant 0 : index
    %swap3A_68 = vector.load %arg6[%swap3A_66, %swap3A_67] : memref<392x1xi32, #tpu.memory_space<vmem>>, vector<392x1xi32>
    tpu.vector_store %arg6[%swap3A_66, %swap3A_67], %broadcast_in_dim3A_65 {strides = array<i32>} : memref<392x1xi32, #tpu.memory_space<vmem>>, vector<392x1xi32>,
    %add3A_69 = arith.addf %div3A_26, %div3A_61 : vector<392x2048xf32>
    %mul3A_70 = arith.constant 5.000000e-01 : f32
    %mul3A_71 = vector.broadcast %mul3A_70 : f32 to vector<392x2048xf32>
    %mul3A_72 = arith.mulf %mul3A_71, %add3A_69 : vector<392x2048xf32>
    %add3A_73 = arith.constant 9.99999993E-9 : f32
    %add3A_74 = vector.broadcast %add3A_73 : f32 to vector<392x2048xf32>
    %add3A_75 = arith.addf %mul3A_72, %add3A_74 : vector<392x2048xf32>
    %log3A = math.log %add3A_75 : vector<392x2048xf32>
    %add3A_76 = arith.constant 9.99999993E-9 : f32
    %add3A_77 = vector.broadcast %add3A_76 : f32 to vector<392x2048xf32>
    %add3A_78 = arith.addf %div3A_26, %add3A_77 : vector<392x2048xf32>
    %log3A_79 = math.log %add3A_78 : vector<392x2048xf32>
    %sub3A_80 = arith.subf %log3A_79, %log3A : vector<392x2048xf32>
    %mul3A_81 = arith.mulf %div3A_26, %sub3A_80 : vector<392x2048xf32>
    %reduce_sum3A_82 = arith.constant dense<0.000000e+00> : vector<392xf32>
    %reduce_sum3A_83 = vector.multi_reduction <add>, %mul3A_81, %reduce_sum3A_82 [1] : vector<392x2048xf32> to vector<392xf32>
    %add3A_84 = arith.constant 9.99999993E-9 : f32
    %add3A_85 = vector.broadcast %add3A_84 : f32 to vector<392x2048xf32>
    %add3A_86 = arith.addf %div3A_61, %add3A_85 : vector<392x2048xf32>
    %log3A_87 = math.log %add3A_86 : vector<392x2048xf32>
    %sub3A_88 = arith.subf %log3A_87, %log3A : vector<392x2048xf32>
    %mul3A_89 = arith.mulf %div3A_61, %sub3A_88 : vector<392x2048xf32>
    %reduce_sum3A_90 = arith.constant dense<0.000000e+00> : vector<392xf32>
    %reduce_sum3A_91 = vector.multi_reduction <add>, %mul3A_89, %reduce_sum3A_90 [1] : vector<392x2048xf32> to vector<392xf32>
    %add3A_92 = arith.addf %reduce_sum3A_83, %reduce_sum3A_91 : vector<392xf32>
    %reduce_sum3A_93 = vector.shape_cast %add3A_92 : vector<392xf32> to vector<1x392xf32>
    %reduce_sum3A_94 = arith.constant dense<0.000000e+00> : vector<1xf32>
    %reduce_sum3A_95 = vector.multi_reduction <add>, %reduce_sum3A_93, %reduce_sum3A_94 [1] : vector<1x392xf32> to vector<1xf32>
    %reduce_sum3A_96 = vector.shape_cast %reduce_sum3A_95 : vector<1xf32> to vector<1x1xf32>
    %reduce_sum3A_97 = vector.extract %reduce_sum3A_96[0, 0] : f32 from vector<1x1xf32>
    %mul3A_98 = arith.constant 5.000000e-01 : f32
    %mul3A_99 = arith.mulf %mul3A_98, %reduce_sum3A_97 : f32
    %reduce_sum3A_100 = vector.shape_cast %broadcast_in_dim3A_16 : vector<392x1xf32> to vector<1x392x1xf32>
    %reduce_sum3A_101 = arith.constant dense<0.000000e+00> : vector<1xf32>
    %reduce_sum3A_102 = vector.multi_reduction <add>, %reduce_sum3A_100, %reduce_sum3A_101 [1, 2] : vector<1x392x1xf32> to vector<1xf32>
    %reduce_sum3A_103 = vector.shape_cast %reduce_sum3A_102 : vector<1xf32> to vector<1x1x1xf32>
    %reduce_sum3A_104 = vector.extract %reduce_sum3A_103[0, 0, 0] : f32 from vector<1x1x1xf32>
    %reduce_sum3A_105 = vector.shape_cast %broadcast_in_dim3A_45 : vector<392x1xf32> to vector<1x392x1xf32>
    %reduce_sum3A_106 = arith.constant dense<0.000000e+00> : vector<1xf32>
    %reduce_sum3A_107 = vector.multi_reduction <add>, %reduce_sum3A_105, %reduce_sum3A_106 [1, 2] : vector<1x392x1xf32> to vector<1xf32>
    %reduce_sum3A_108 = vector.shape_cast %reduce_sum3A_107 : vector<1xf32> to vector<1x1x1xf32>
    %reduce_sum3A_109 = vector.extract %reduce_sum3A_108[0, 0, 0] : f32 from vector<1x1x1xf32>
    %add3A_110 = arith.addf %reduce_sum3A_104, %reduce_sum3A_109 : f32
    %eq3A_111 = arith.constant 0 : i32
    %eq3A_112 = arith.cmpi eq, %arg0, %eq3A_111 : i32
    %convert_element_type3A = arith.extui %eq3A_112 : i1 to i32
    %cond3A = arith.constant 0 : i32
    %cond3A_113 = arith.cmpi ne, %convert_element_type3A, %cond3A : i32
    scf.if %cond3A_113 {
      %broadcast_in_dim3A_129 = arith.constant 0.000000e+00 : f32
      %broadcast_in_dim3A_130 = vector.broadcast %broadcast_in_dim3A_129 : f32 to vector<1x1xf32>
      %swap3A_131 = arith.constant 0 : index
      %swap3A_132 = arith.constant 0 : index
      %swap3A_133 = vector.load %arg7[%swap3A_131, %swap3A_132] : memref<1x1xf32, #tpu.memory_space<vmem>>, vector<1x1xf32>
      tpu.vector_store %arg7[%swap3A_131, %swap3A_132], %broadcast_in_dim3A_130 {strides = array<i32>} : memref<1x1xf32, #tpu.memory_space<vmem>>, vector<1x1xf32>,
      %broadcast_in_dim3A_134 = arith.constant 0.000000e+00 : f32
      %broadcast_in_dim3A_135 = vector.broadcast %broadcast_in_dim3A_134 : f32 to vector<1x1xf32>
      %swap3A_136 = arith.constant 0 : index
      %swap3A_137 = arith.constant 0 : index
      %swap3A_138 = vector.load %arg8[%swap3A_136, %swap3A_137] : memref<1x1xf32, #tpu.memory_space<vmem>>, vector<1x1xf32>
      tpu.vector_store %arg8[%swap3A_136, %swap3A_137], %broadcast_in_dim3A_135 {strides = array<i32>} : memref<1x1xf32, #tpu.memory_space<vmem>>, vector<1x1xf32>,
    } else {
    }
    %get3A_114 = arith.constant 0 : index
    %get3A_115 = arith.constant 0 : index
    %get3A_116 = vector.load %arg7[%get3A_114, %get3A_115] : memref<1x1xf32, #tpu.memory_space<vmem>>, vector<1x1xf32>
    %reshape3A = vector.broadcast %mul3A_99 : f32 to vector<1x1xf32>
    %add3A_117 = arith.addf %get3A_116, %reshape3A : vector<1x1xf32>
    %swap3A_118 = arith.constant 0 : index
    %swap3A_119 = arith.constant 0 : index
    %swap3A_120 = vector.load %arg7[%swap3A_118, %swap3A_119] : memref<1x1xf32, #tpu.memory_space<vmem>>, vector<1x1xf32>
    tpu.vector_store %arg7[%swap3A_118, %swap3A_119], %add3A_117 {strides = array<i32>} : memref<1x1xf32, #tpu.memory_space<vmem>>, vector<1x1xf32>,
    %get3A_121 = arith.constant 0 : index
    %get3A_122 = arith.constant 0 : index
    %get3A_123 = vector.load %arg8[%get3A_121, %get3A_122] : memref<1x1xf32, #tpu.memory_space<vmem>>, vector<1x1xf32>
    %reshape3A_124 = vector.broadcast %add3A_110 : f32 to vector<1x1xf32>
    %add3A_125 = arith.addf %get3A_123, %reshape3A_124 : vector<1x1xf32>
    %swap3A_126 = arith.constant 0 : index
    %swap3A_127 = arith.constant 0 : index
    %swap3A_128 = vector.load %arg8[%swap3A_126, %swap3A_127] : memref<1x1xf32, #tpu.memory_space<vmem>>, vector<1x1xf32>
    tpu.vector_store %arg8[%swap3A_126, %swap3A_127], %add3A_125 {strides = array<i32>} : memref<1x1xf32, #tpu.memory_space<vmem>>, vector<1x1xf32>,
    return
  }
  func.func @transform_0(%arg0: i32) -> (i32, i32) {
    %c0_i32 = arith.constant 0 : i32
    %c0_i32_0 = arith.constant 0 : i32
    return %arg0, %c0_i32 : i32, i32
  }
  func.func @transform_1(%arg0: i32) -> (i32, i32) {
    %add3A = arith.constant 8 : i32
    %add3A_0 = arith.addi %arg0, %add3A : i32
    %c0_i32 = arith.constant 0 : i32
    %c0_i32_1 = arith.constant 0 : i32
    return %add3A_0, %c0_i32 : i32, i32
  }
  func.func @transform_2(%arg0: i32) -> (i32, i32) {
    %c0_i32 = arith.constant 0 : i32
    %c0_i32_0 = arith.constant 0 : i32
    %c0_i32_1 = arith.constant 0 : i32
    return %c0_i32, %c0_i32_0 : i32, i32
  }
  func.func @transform_3(%arg0: i32) -> (i32, i32) {
    %c0_i32 = arith.constant 0 : i32
    %c0_i32_0 = arith.constant 0 : i32
    %c0_i32_1 = arith.constant 0 : i32
    return %c0_i32, %c0_i32_0 : i32, i32
  }
  func.func @transform_4(%arg0: i32) -> (i32, i32) {
    %c0_i32 = arith.constant 0 : i32
    %c0_i32_0 = arith.constant 0 : i32
    return %arg0, %c0_i32 : i32, i32
  }
  func.func @transform_5(%arg0: i32) -> (i32, i32) {
    %c0_i32 = arith.constant 0 : i32
    %c0_i32_0 = arith.constant 0 : i32
    return %arg0, %c0_i32 : i32, i32
  }
  func.func @transform_6(%arg0: i32) -> (i32, i32) {
    %c0_i32 = arith.constant 0 : i32
    %c0_i32_0 = arith.constant 0 : i32
    %c0_i32_1 = arith.constant 0 : i32
    return %c0_i32, %c0_i32_0 : i32, i32
  }
  func.func @transform_7(%arg0: i32) -> (i32, i32) {
    %c0_i32 = arith.constant 0 : i32
    %c0_i32_0 = arith.constant 0 : i32
    %c0_i32_1 = arith.constant 0 : i32
    return %c0_i32, %c0_i32_0 : i32, i32
  }
}

module attributes {stable_mosaic.version = 14 : i64} {
  func.func @_k3_kern(%arg0: i32, %arg1: memref<768x896xf32, #tpu.memory_space<vmem>>, %arg2: memref<384x896xf32, #tpu.memory_space<vmem>>, %arg3: memref<768x1152xf32, #tpu.memory_space<vmem>>, %arg4: memref<768x1xf32, #tpu.memory_space<vmem>>, %arg5: memref<384x768xf32, #tpu.memory_space<vmem>>, %arg6: memref<384x896xf32, #tpu.memory_space<vmem>>) attributes {dimension_semantics = [#tpu.dimension_semantics<arbitrary>], iteration_bounds = array<i64: 7>, scalar_prefetch = 0 : i64, scratch_operands = 0 : i64, tpu.core_type = #tpu.core_type<tc>, window_params = [{transform_indices = @transform_0, window_bounds = array<i64: 768, 896>}, {transform_indices = @transform_1, window_bounds = array<i64: 384, 896>}, {pipeline_mode = #tpu.pipeline_mode<synchronous>, transform_indices = @transform_2, window_bounds = array<i64: 768, 1152>}, {pipeline_mode = #tpu.pipeline_mode<synchronous>, transform_indices = @transform_3, window_bounds = array<i64: 768, 1>}, {pipeline_mode = #tpu.pipeline_mode<synchronous>, transform_indices = @transform_4, window_bounds = array<i64: 384, 768>}, {transform_indices = @transform_5, window_bounds = array<i64: 384, 896>}]} {
    %get3A = arith.constant 0 : index
    %get3A_0 = arith.constant 0 : index
    %get3A_1 = vector.load %arg1[%get3A, %get3A_0] : memref<768x896xf32, #tpu.memory_space<vmem>>, vector<768x896xf32>
    %get3A_2 = arith.constant 0 : index
    %get3A_3 = arith.constant 0 : index
    %get3A_4 = vector.load %arg2[%get3A_2, %get3A_3] : memref<384x896xf32, #tpu.memory_space<vmem>>, vector<384x896xf32>
    %concatenate3A = tpu.concatenate %get3A_1, %get3A_4 in 0 : vector<768x896xf32>, vector<384x896xf32> -> vector<1152x896xf32>
    %get3A_5 = arith.constant 0 : index
    %get3A_6 = arith.constant 0 : index
    %get3A_7 = vector.load %arg3[%get3A_5, %get3A_6] : memref<768x1152xf32, #tpu.memory_space<vmem>>, vector<768x1152xf32>
    %dot_general3A = arith.constant dense<0.000000e+00> : vector<768x896xf32>
    %dot_general3A_8 = tpu.matmul %get3A_7, %concatenate3A, %dot_general3A {dimension_numbers = #tpu.dot_dimension_numbers<[1], [0], [0], [1], [0, 0, 1, 1], [], []>, transpose_lhs_hint = false} : vector<768x1152xf32>, vector<1152x896xf32>, vector<768x896xf32> -> vector<768x896xf32>
    %get3A_9 = arith.constant 0 : index
    %get3A_10 = arith.constant 0 : index
    %get3A_11 = vector.load %arg4[%get3A_9, %get3A_10] : memref<768x1xf32, #tpu.memory_space<vmem>>, vector<768x1xf32>
    %add3A = vector.broadcast %get3A_11 : vector<768x1xf32> to vector<768x896xf32>
    %add3A_12 = arith.addf %dot_general3A_8, %add3A : vector<768x896xf32>
    %get3A_13 = arith.constant 0 : index
    %get3A_14 = arith.constant 0 : index
    %get3A_15 = vector.load %arg5[%get3A_13, %get3A_14] : memref<384x768xf32, #tpu.memory_space<vmem>>, vector<384x768xf32>
    %ge3A = arith.constant 0.000000e+00 : f32
    %ge3A_16 = vector.broadcast %ge3A : f32 to vector<768x896xf32>
    %ge3A_17 = arith.cmpf oge, %add3A_12, %ge3A_16 : vector<768x896xf32>
    %mul3A = arith.constant 1.000000e-01 : f32
    %mul3A_18 = vector.broadcast %mul3A : f32 to vector<768x896xf32>
    %mul3A_19 = arith.mulf %mul3A_18, %add3A_12 : vector<768x896xf32>
    %select_n3A = arith.select %ge3A_17, %add3A_12, %mul3A_19 : vector<768x896xi1>, vector<768x896xf32>
    %convert_element_type3A = arith.truncf %select_n3A : vector<768x896xf32> to vector<768x896xbf16>
    %convert_element_type3A_20 = arith.extf %convert_element_type3A : vector<768x896xbf16> to vector<768x896xf32>
    %dot_general3A_21 = arith.constant dense<0.000000e+00> : vector<384x896xf32>
    %dot_general3A_22 = tpu.matmul %get3A_15, %convert_element_type3A_20, %dot_general3A_21 {dimension_numbers = #tpu.dot_dimension_numbers<[1], [0], [0], [1], [0, 0, 1, 1], [], []>, transpose_lhs_hint = false} : vector<384x768xf32>, vector<768x896xf32>, vector<384x896xf32> -> vector<384x896xf32>
    %swap3A = arith.constant 0 : index
    %swap3A_23 = arith.constant 0 : index
    %swap3A_24 = vector.load %arg6[%swap3A, %swap3A_23] : memref<384x896xf32, #tpu.memory_space<vmem>>, vector<384x896xf32>
    tpu.vector_store %arg6[%swap3A, %swap3A_23], %dot_general3A_22 {strides = array<i32>} : memref<384x896xf32, #tpu.memory_space<vmem>>, vector<384x896xf32>,
    return
  }
  func.func @transform_0(%arg0: i32) -> (i32, i32) {
    %c0_i32 = arith.constant 0 : i32
    %c0_i32_0 = arith.constant 0 : i32
    return %c0_i32, %arg0 : i32, i32
  }
  func.func @transform_1(%arg0: i32) -> (i32, i32) {
    %c0_i32 = arith.constant 0 : i32
    %c0_i32_0 = arith.constant 0 : i32
    return %c0_i32, %arg0 : i32, i32
  }
  func.func @transform_2(%arg0: i32) -> (i32, i32) {
    %c0_i32 = arith.constant 0 : i32
    %c0_i32_0 = arith.constant 0 : i32
    %c0_i32_1 = arith.constant 0 : i32
    return %c0_i32, %c0_i32_0 : i32, i32
  }
  func.func @transform_3(%arg0: i32) -> (i32, i32) {
    %c0_i32 = arith.constant 0 : i32
    %c0_i32_0 = arith.constant 0 : i32
    %c0_i32_1 = arith.constant 0 : i32
    return %c0_i32, %c0_i32_0 : i32, i32
  }
  func.func @transform_4(%arg0: i32) -> (i32, i32) {
    %c0_i32 = arith.constant 0 : i32
    %c0_i32_0 = arith.constant 0 : i32
    %c0_i32_1 = arith.constant 0 : i32
    return %c0_i32, %c0_i32_0 : i32, i32
  }
  func.func @transform_5(%arg0: i32) -> (i32, i32) {
    %c0_i32 = arith.constant 0 : i32
    %c0_i32_0 = arith.constant 0 : i32
    return %c0_i32, %arg0 : i32, i32
  }
}

module attributes {stable_mosaic.version = 14 : i64} {
  func.func @_k5_kern(%arg0: i32, %arg1: memref<384x896xf32, #tpu.memory_space<vmem>>, %arg2: memref<384x896xf32, #tpu.memory_space<vmem>>, %arg3: memref<768x896xf32, #tpu.memory_space<vmem>>, %arg4: memref<768x768xf32, #tpu.memory_space<vmem>>, %arg5: memref<768x1xf32, #tpu.memory_space<vmem>>, %arg6: memref<768x768xf32, #tpu.memory_space<vmem>>, %arg7: memref<768x1xf32, #tpu.memory_space<vmem>>, %arg8: memref<768x768xf32, #tpu.memory_space<vmem>>, %arg9: memref<768x1xf32, #tpu.memory_space<vmem>>, %arg10: memref<768x768xf32, #tpu.memory_space<vmem>>, %arg11: memref<768x1xf32, #tpu.memory_space<vmem>>, %arg12: memref<768x768xf32, #tpu.memory_space<vmem>>, %arg13: memref<768x1xf32, #tpu.memory_space<vmem>>, %arg14: memref<768x896xf32, #tpu.memory_space<vmem>>, %arg15: memref<1x1xf32, #tpu.memory_space<vmem>>) attributes {dimension_semantics = [#tpu.dimension_semantics<arbitrary>], iteration_bounds = array<i64: 7>, scalar_prefetch = 0 : i64, scratch_operands = 0 : i64, tpu.core_type = #tpu.core_type<tc>, window_params = [{transform_indices = @transform_0, window_bounds = array<i64: 384, 896>}, {transform_indices = @transform_1, window_bounds = array<i64: 384, 896>}, {transform_indices = @transform_2, window_bounds = array<i64: 768, 896>}, {pipeline_mode = #tpu.pipeline_mode<synchronous>, transform_indices = @transform_3, window_bounds = array<i64: 768, 768>}, {pipeline_mode = #tpu.pipeline_mode<synchronous>, transform_indices = @transform_4, window_bounds = array<i64: 768, 1>}, {pipeline_mode = #tpu.pipeline_mode<synchronous>, transform_indices = @transform_5, window_bounds = array<i64: 768, 768>}, {pipeline_mode = #tpu.pipeline_mode<synchronous>, transform_indices = @transform_6, window_bounds = array<i64: 768, 1>}, {pipeline_mode = #tpu.pipeline_mode<synchronous>, transform_indices = @transform_7, window_bounds = array<i64: 768, 768>}, {pipeline_mode = #tpu.pipeline_mode<synchronous>, transform_indices = @transform_8, window_bounds = array<i64: 768, 1>}, {pipeline_mode = #tpu.pipeline_mode<synchronous>, transform_indices = @transform_9, window_bounds = array<i64: 768, 768>}, {pipeline_mode = #tpu.pipeline_mode<synchronous>, transform_indices = @transform_10, window_bounds = array<i64: 768, 1>}, {pipeline_mode = #tpu.pipeline_mode<synchronous>, transform_indices = @transform_11, window_bounds = array<i64: 768, 768>}, {pipeline_mode = #tpu.pipeline_mode<synchronous>, transform_indices = @transform_12, window_bounds = array<i64: 768, 1>}, {transform_indices = @transform_13, window_bounds = array<i64: 768, 896>}, {pipeline_mode = #tpu.pipeline_mode<synchronous>, transform_indices = @transform_14, window_bounds = array<i64: 1, 1>}]} {
    %get3A = arith.constant 0 : index
    %get3A_0 = arith.constant 0 : index
    %get3A_1 = vector.load %arg1[%get3A, %get3A_0] : memref<384x896xf32, #tpu.memory_space<vmem>>, vector<384x896xf32>
    %get3A_2 = arith.constant 0 : index
    %get3A_3 = arith.constant 0 : index
    %get3A_4 = vector.load %arg2[%get3A_2, %get3A_3] : memref<384x896xf32, #tpu.memory_space<vmem>>, vector<384x896xf32>
    %concatenate3A = tpu.concatenate %get3A_1, %get3A_4 in 0 : vector<384x896xf32>, vector<384x896xf32> -> vector<768x896xf32>
    %get3A_5 = arith.constant 0 : index
    %get3A_6 = arith.constant 0 : index
    %get3A_7 = vector.load %arg4[%get3A_5, %get3A_6] : memref<768x768xf32, #tpu.memory_space<vmem>>, vector<768x768xf32>
    %dot_general3A = arith.constant dense<0.000000e+00> : vector<768x896xf32>
    %dot_general3A_8 = tpu.matmul %get3A_7, %concatenate3A, %dot_general3A {dimension_numbers = #tpu.dot_dimension_numbers<[1], [0], [0], [1], [0, 0, 1, 1], [], []>, transpose_lhs_hint = false} : vector<768x768xf32>, vector<768x896xf32>, vector<768x896xf32> -> vector<768x896xf32>
    %get3A_9 = arith.constant 0 : index
    %get3A_10 = arith.constant 0 : index
    %get3A_11 = vector.load %arg5[%get3A_9, %get3A_10] : memref<768x1xf32, #tpu.memory_space<vmem>>, vector<768x1xf32>
    %add3A = vector.broadcast %get3A_11 : vector<768x1xf32> to vector<768x896xf32>
    %add3A_12 = arith.addf %dot_general3A_8, %add3A : vector<768x896xf32>
    %get3A_13 = arith.constant 0 : index
    %get3A_14 = arith.constant 0 : index
    %get3A_15 = vector.load %arg6[%get3A_13, %get3A_14] : memref<768x768xf32, #tpu.memory_space<vmem>>, vector<768x768xf32>
    %get3A_16 = arith.constant 0 : index
    %get3A_17 = arith.constant 0 : index
    %get3A_18 = vector.load %arg7[%get3A_16, %get3A_17] : memref<768x1xf32, #tpu.memory_space<vmem>>, vector<768x1xf32>
    %get3A_19 = arith.constant 0 : index
    %get3A_20 = arith.constant 0 : index
    %get3A_21 = vector.load %arg8[%get3A_19, %get3A_20] : memref<768x768xf32, #tpu.memory_space<vmem>>, vector<768x768xf32>
    %get3A_22 = arith.constant 0 : index
    %get3A_23 = arith.constant 0 : index
    %get3A_24 = vector.load %arg9[%get3A_22, %get3A_23] : memref<768x1xf32, #tpu.memory_space<vmem>>, vector<768x1xf32>
    %dot_general3A_25 = arith.constant dense<0.000000e+00> : vector<768x896xf32>
    %dot_general3A_26 = tpu.matmul %get3A_15, %add3A_12, %dot_general3A_25 {dimension_numbers = #tpu.dot_dimension_numbers<[1], [0], [0], [1], [0, 0, 1, 1], [], []>, transpose_lhs_hint = false} : vector<768x768xf32>, vector<768x896xf32>, vector<768x896xf32> -> vector<768x896xf32>
    %add3A_27 = vector.broadcast %get3A_18 : vector<768x1xf32> to vector<768x896xf32>
    %add3A_28 = arith.addf %dot_general3A_26, %add3A_27 : vector<768x896xf32>
    %ge3A = arith.constant 0.000000e+00 : f32
    %ge3A_29 = vector.broadcast %ge3A : f32 to vector<768x896xf32>
    %ge3A_30 = arith.cmpf oge, %add3A_28, %ge3A_29 : vector<768x896xf32>
    %mul3A = arith.constant 1.000000e-01 : f32
    %mul3A_31 = vector.broadcast %mul3A : f32 to vector<768x896xf32>
    %mul3A_32 = arith.mulf %mul3A_31, %add3A_28 : vector<768x896xf32>
    %select_n3A = arith.select %ge3A_30, %add3A_28, %mul3A_32 : vector<768x896xi1>, vector<768x896xf32>
    %convert_element_type3A = arith.truncf %select_n3A : vector<768x896xf32> to vector<768x896xbf16>
    %convert_element_type3A_33 = arith.extf %convert_element_type3A : vector<768x896xbf16> to vector<768x896xf32>
    %dot_general3A_34 = arith.constant dense<0.000000e+00> : vector<768x896xf32>
    %dot_general3A_35 = tpu.matmul %get3A_21, %convert_element_type3A_33, %dot_general3A_34 {dimension_numbers = #tpu.dot_dimension_numbers<[1], [0], [0], [1], [0, 0, 1, 1], [], []>, transpose_lhs_hint = false} : vector<768x768xf32>, vector<768x896xf32>, vector<768x896xf32> -> vector<768x896xf32>
    %add3A_36 = vector.broadcast %get3A_24 : vector<768x1xf32> to vector<768x896xf32>
    %add3A_37 = arith.addf %dot_general3A_35, %add3A_36 : vector<768x896xf32>
    %add3A_38 = arith.addf %add3A_12, %add3A_37 : vector<768x896xf32>
    %get3A_39 = arith.constant 0 : index
    %get3A_40 = arith.constant 0 : index
    %get3A_41 = vector.load %arg10[%get3A_39, %get3A_40] : memref<768x768xf32, #tpu.memory_space<vmem>>, vector<768x768xf32>
    %get3A_42 = arith.constant 0 : index
    %get3A_43 = arith.constant 0 : index
    %get3A_44 = vector.load %arg11[%get3A_42, %get3A_43] : memref<768x1xf32, #tpu.memory_space<vmem>>, vector<768x1xf32>
    %get3A_45 = arith.constant 0 : index
    %get3A_46 = arith.constant 0 : index
    %get3A_47 = vector.load %arg12[%get3A_45, %get3A_46] : memref<768x768xf32, #tpu.memory_space<vmem>>, vector<768x768xf32>
    %get3A_48 = arith.constant 0 : index
    %get3A_49 = arith.constant 0 : index
    %get3A_50 = vector.load %arg13[%get3A_48, %get3A_49] : memref<768x1xf32, #tpu.memory_space<vmem>>, vector<768x1xf32>
    %dot_general3A_51 = arith.constant dense<0.000000e+00> : vector<768x896xf32>
    %dot_general3A_52 = tpu.matmul %get3A_41, %add3A_38, %dot_general3A_51 {dimension_numbers = #tpu.dot_dimension_numbers<[1], [0], [0], [1], [0, 0, 1, 1], [], []>, transpose_lhs_hint = false} : vector<768x768xf32>, vector<768x896xf32>, vector<768x896xf32> -> vector<768x896xf32>
    %add3A_53 = vector.broadcast %get3A_44 : vector<768x1xf32> to vector<768x896xf32>
    %add3A_54 = arith.addf %dot_general3A_52, %add3A_53 : vector<768x896xf32>
    %ge3A_55 = arith.constant 0.000000e+00 : f32
    %ge3A_56 = vector.broadcast %ge3A_55 : f32 to vector<768x896xf32>
    %ge3A_57 = arith.cmpf oge, %add3A_54, %ge3A_56 : vector<768x896xf32>
    %mul3A_58 = arith.constant 1.000000e-01 : f32
    %mul3A_59 = vector.broadcast %mul3A_58 : f32 to vector<768x896xf32>
    %mul3A_60 = arith.mulf %mul3A_59, %add3A_54 : vector<768x896xf32>
    %select_n3A_61 = arith.select %ge3A_57, %add3A_54, %mul3A_60 : vector<768x896xi1>, vector<768x896xf32>
    %convert_element_type3A_62 = arith.truncf %select_n3A_61 : vector<768x896xf32> to vector<768x896xbf16>
    %convert_element_type3A_63 = arith.extf %convert_element_type3A_62 : vector<768x896xbf16> to vector<768x896xf32>
    %dot_general3A_64 = arith.constant dense<0.000000e+00> : vector<768x896xf32>
    %dot_general3A_65 = tpu.matmul %get3A_47, %convert_element_type3A_63, %dot_general3A_64 {dimension_numbers = #tpu.dot_dimension_numbers<[1], [0], [0], [1], [0, 0, 1, 1], [], []>, transpose_lhs_hint = false} : vector<768x768xf32>, vector<768x896xf32>, vector<768x896xf32> -> vector<768x896xf32>
    %add3A_66 = vector.broadcast %get3A_50 : vector<768x1xf32> to vector<768x896xf32>
    %add3A_67 = arith.addf %dot_general3A_65, %add3A_66 : vector<768x896xf32>
    %add3A_68 = arith.addf %add3A_38, %add3A_67 : vector<768x896xf32>
    %swap3A = arith.constant 0 : index
    %swap3A_69 = arith.constant 0 : index
    %swap3A_70 = vector.load %arg14[%swap3A, %swap3A_69] : memref<768x896xf32, #tpu.memory_space<vmem>>, vector<768x896xf32>
    tpu.vector_store %arg14[%swap3A, %swap3A_69], %add3A_12 {strides = array<i32>} : memref<768x896xf32, #tpu.memory_space<vmem>>, vector<768x896xf32>,
    %get3A_71 = arith.constant 0 : index
    %get3A_72 = arith.constant 0 : index
    %get3A_73 = vector.load %arg3[%get3A_71, %get3A_72] : memref<768x896xf32, #tpu.memory_space<vmem>>, vector<768x896xf32>
    %sub3A = arith.subf %add3A_68, %get3A_73 : vector<768x896xf32>
    %integer_pow3A = arith.mulf %sub3A, %sub3A : vector<768x896xf32>
    %reduce_sum3A = vector.shape_cast %integer_pow3A : vector<768x896xf32> to vector<1x768x896xf32>
    %reduce_sum3A_74 = arith.constant dense<0.000000e+00> : vector<1xf32>
    %reduce_sum3A_75 = vector.multi_reduction <add>, %reduce_sum3A, %reduce_sum3A_74 [1, 2] : vector<1x768x896xf32> to vector<1xf32>
    %reduce_sum3A_76 = vector.shape_cast %reduce_sum3A_75 : vector<1xf32> to vector<1x1x1xf32>
    %reduce_sum3A_77 = vector.extract %reduce_sum3A_76[0, 0, 0] : f32 from vector<1x1x1xf32>
    %eq3A = arith.constant 0 : i32
    %eq3A_78 = arith.cmpi eq, %arg0, %eq3A : i32
    %convert_element_type3A_79 = arith.extui %eq3A_78 : i1 to i32
    %cond3A = arith.constant 0 : i32
    %cond3A_80 = arith.cmpi ne, %convert_element_type3A_79, %cond3A : i32
    scf.if %cond3A_80 {
      %broadcast_in_dim3A = arith.constant 0.000000e+00 : f32
      %broadcast_in_dim3A_88 = vector.broadcast %broadcast_in_dim3A : f32 to vector<1x1xf32>
      %swap3A_89 = arith.constant 0 : index
      %swap3A_90 = arith.constant 0 : index
      %swap3A_91 = vector.load %arg15[%swap3A_89, %swap3A_90] : memref<1x1xf32, #tpu.memory_space<vmem>>, vector<1x1xf32>
      tpu.vector_store %arg15[%swap3A_89, %swap3A_90], %broadcast_in_dim3A_88 {strides = array<i32>} : memref<1x1xf32, #tpu.memory_space<vmem>>, vector<1x1xf32>,
    } else {
    }
    %get3A_81 = arith.constant 0 : index
    %get3A_82 = arith.constant 0 : index
    %get3A_83 = vector.load %arg15[%get3A_81, %get3A_82] : memref<1x1xf32, #tpu.memory_space<vmem>>, vector<1x1xf32>
    %reshape3A = vector.broadcast %reduce_sum3A_77 : f32 to vector<1x1xf32>
    %add3A_84 = arith.addf %get3A_83, %reshape3A : vector<1x1xf32>
    %swap3A_85 = arith.constant 0 : index
    %swap3A_86 = arith.constant 0 : index
    %swap3A_87 = vector.load %arg15[%swap3A_85, %swap3A_86] : memref<1x1xf32, #tpu.memory_space<vmem>>, vector<1x1xf32>
    tpu.vector_store %arg15[%swap3A_85, %swap3A_86], %add3A_84 {strides = array<i32>} : memref<1x1xf32, #tpu.memory_space<vmem>>, vector<1x1xf32>,
    return
  }
  func.func @transform_0(%arg0: i32) -> (i32, i32) {
    %c0_i32 = arith.constant 0 : i32
    %c0_i32_0 = arith.constant 0 : i32
    return %c0_i32, %arg0 : i32, i32
  }
  func.func @transform_1(%arg0: i32) -> (i32, i32) {
    %c0_i32 = arith.constant 0 : i32
    %c0_i32_0 = arith.constant 0 : i32
    return %c0_i32, %arg0 : i32, i32
  }
  func.func @transform_2(%arg0: i32) -> (i32, i32) {
    %c0_i32 = arith.constant 0 : i32
    %c0_i32_0 = arith.constant 0 : i32
    return %c0_i32, %arg0 : i32, i32
  }
  func.func @transform_3(%arg0: i32) -> (i32, i32) {
    %c0_i32 = arith.constant 0 : i32
    %c0_i32_0 = arith.constant 0 : i32
    %c0_i32_1 = arith.constant 0 : i32
    return %c0_i32, %c0_i32_0 : i32, i32
  }
  func.func @transform_4(%arg0: i32) -> (i32, i32) {
    %c0_i32 = arith.constant 0 : i32
    %c0_i32_0 = arith.constant 0 : i32
    %c0_i32_1 = arith.constant 0 : i32
    return %c0_i32, %c0_i32_0 : i32, i32
  }
  func.func @transform_5(%arg0: i32) -> (i32, i32) {
    %c0_i32 = arith.constant 0 : i32
    %c0_i32_0 = arith.constant 0 : i32
    %c0_i32_1 = arith.constant 0 : i32
    return %c0_i32, %c0_i32_0 : i32, i32
  }
  func.func @transform_6(%arg0: i32) -> (i32, i32) {
    %c0_i32 = arith.constant 0 : i32
    %c0_i32_0 = arith.constant 0 : i32
    %c0_i32_1 = arith.constant 0 : i32
    return %c0_i32, %c0_i32_0 : i32, i32
  }
  func.func @transform_7(%arg0: i32) -> (i32, i32) {
    %c0_i32 = arith.constant 0 : i32
    %c0_i32_0 = arith.constant 0 : i32
    %c0_i32_1 = arith.constant 0 : i32
    return %c0_i32, %c0_i32_0 : i32, i32
  }
  func.func @transform_8(%arg0: i32) -> (i32, i32) {
    %c0_i32 = arith.constant 0 : i32
    %c0_i32_0 = arith.constant 0 : i32
    %c0_i32_1 = arith.constant 0 : i32
    return %c0_i32, %c0_i32_0 : i32, i32
  }
  func.func @transform_9(%arg0: i32) -> (i32, i32) {
    %c0_i32 = arith.constant 0 : i32
    %c0_i32_0 = arith.constant 0 : i32
    %c0_i32_1 = arith.constant 0 : i32
    return %c0_i32, %c0_i32_0 : i32, i32
  }
  func.func @transform_10(%arg0: i32) -> (i32, i32) {
    %c0_i32 = arith.constant 0 : i32
    %c0_i32_0 = arith.constant 0 : i32
    %c0_i32_1 = arith.constant 0 : i32
    return %c0_i32, %c0_i32_0 : i32, i32
  }
  func.func @transform_11(%arg0: i32) -> (i32, i32) {
    %c0_i32 = arith.constant 0 : i32
    %c0_i32_0 = arith.constant 0 : i32
    %c0_i32_1 = arith.constant 0 : i32
    return %c0_i32, %c0_i32_0 : i32, i32
  }
  func.func @transform_12(%arg0: i32) -> (i32, i32) {
    %c0_i32 = arith.constant 0 : i32
    %c0_i32_0 = arith.constant 0 : i32
    %c0_i32_1 = arith.constant 0 : i32
    return %c0_i32, %c0_i32_0 : i32, i32
  }
  func.func @transform_13(%arg0: i32) -> (i32, i32) {
    %c0_i32 = arith.constant 0 : i32
    %c0_i32_0 = arith.constant 0 : i32
    return %c0_i32, %arg0 : i32, i32
  }
  func.func @transform_14(%arg0: i32) -> (i32, i32) {
    %c0_i32 = arith.constant 0 : i32
    %c0_i32_0 = arith.constant 0 : i32
    %c0_i32_1 = arith.constant 0 : i32
    return %c0_i32, %c0_i32_0 : i32, i32
  }
}

</mosaic_0001>

<sc_bundles>
// kernel: kernel.11.cloned.1.call-start
scs
__scs_entry_jumppad:
0x0: {  	(pc) =	sbr.rel $0x88, $3  }
0x1: {  	(tag) =	ssettag $0x0;
	lr =	simm.s32 $0x1  }
0x2: {  	[smem:$0x3F86] =	sst lr;
	_ =	strace $0xD0000000  }
0x3: {  	_ = 	snop  }
0x4: {  	_ = 	snop  }
0x5: {  	_ = 	snop  }
0x6: {  	_ = 	snop  }
0x7: {  	_ = 	snop  }
__scs_overlays_trampoline_lowered:
0x8: {  	[smem:$0x3F95] =	sst s0  }
0x9: {  	[smem:$0x3F96] =	sst s1  }
0xa: {  	[smem:$0x3F97] =	sst s2  }
0xb: {  	[smem:$0x3F98] =	sst s3  }
0xc: {  	[smem:$0x3F99] =	sst s4  }
0xd: {  	[smem:$0x3F9A] =	sst s5  }
0xe: {  	[smem:$0x3F9B] =	sst s6  }
0xf: {  	[smem:$0x3F9C] =	sst s7  }
0x10: {  	[smem:$0x3F9D] =	sst s8  }
0x11: {  	[smem:$0x3F9E] =	sst s9;
	s0 =	simm.s32 @!p0 $0x0  }
0x12: {  	s1 =	sld [smem:$0x3F84];
	s0 =	simm.s32 @p0 $0x1  }
0x13: {  	[smem:$0x3F9F] =	sst s0;
	s0 =	simm.s32 @!p1 $0x0  }
0x14: {  	s2 =	sld [smem:$0x3F83];
	s0 =	simm.s32 @p1 $0x1  }
0x15: {  	[smem:$0x3FA0] =	sst s0;
	s0 =	simm.s32 @!p2 $0x0  }
0x16: {  	s3 =	sld [smem:$0x3FDB];
	s0 =	simm.s32 @p2 $0x1  }
0x17: {  	s4 =	simm.s32 $0x1BF5;
	[smem:$0x3FA2] =	sst s0  }
0x18: {  	s0 =	sld [smem:$0x3F85];
	_ =	swait.ge [sflag:s4], $0x0  }
0x19: {  	s7 =	sld [smem:$0x3F86]  }
0x1a: {  	s8 =	sadd.s32 $0xFFFFE003, lr  }
0x1b: {  	s9 =	sadd.s32 $0xFFFFFEF7, lr;
	s5 =	simm.s32 $0xFFFFFFFF;
	p2 =	slt.u32 s8, $0xFFFFF086  }
0x1c: {  	p1 =	slt.u32 s9, $0xF7A;
	s5 =	simm.s32 @!p2 $0x0  }
0x1d: {  	s5 =	simm.s32 @p1 $0x1;
	p0 =	seq.s32 s7, s2  }
0x1e: {  	s7 =	smul.u32 @!p0 $0xF7A, s2;
	p2 =	seq.s32 @!p0 s5, $0x0  }
0x1f: {  	s9 =	smul.u32 $0xF7A, s1;
	s8 =	simm.s32 @!p0 $0x1BF5;
	p2 =	por !p2, p0  }
0x20: {  	[sflag:s8] =	ssyncset.s32 @!p0 $0xFFFFF086;
	s6 =	sadd.s32 @!p0 s3, s7;
	s7 =	simm.s32 @!p0 $0x108  }
0x21: {  	s3 =	sadd.s32 s3, s9;
	s6 =	sadd.s32 @!p0 $0x88, s6;
	s7 =	simm.s32 @p2 $0x1082  }
0x22: {  	[simem:s7], [sflag:s8] =	dma.local @!p0 [hbm:s6], $0xF7A  }
0x23: {  	s9 =	sor.u32 $0xD0000000, s2;
	s6 =	simm.s32 $0x108;
	_ =	swait.ge @!p0 [sflag:s8], $0x0  }
0x24: {  	s3 =	sadd.s32 $0x88, s3;
	s6 =	simm.s32 @!p1 $0x1082;
	[sflag:s4] =	ssyncset.s32 $0xFFFFF086  }
0x25: {  	[simem:s6], [sflag:s4] =	dma.local [hbm:s3], $0xF7A  }
0x26: {  	[smem:$0x3F86] =	sst s1;
	(tag) =	ssettag s2;
	_ =	strace s9  }
0x27: {  	s1 =	sld [smem:$0x3F96]  }
0x28: {  	s2 =	sld [smem:$0x3F97]  }
0x29: {  	s4 =	sld [smem:$0x3F99]  }
0x2a: {  	p0 =	seq.s32 s5, $0x0;
	s5 =	sld [smem:$0x3F9A]  }
0x2b: {  	s6 =	sld [smem:$0x3F9B]  }
0x2c: {  	s7 =	sld [smem:$0x3F9C]  }
0x2d: {  	s3 =	simm.s32 $0x108;
	s8 =	sld [smem:$0x3F9D]  }
0x2e: {  	s3 =	simm.s32 @!p0 $0x1082;
	s9 =	sld [smem:$0x3F9E]  }
0x2f: {  	lr =	sadd.s32 s0, s3;
	s0 =	sld [smem:$0x3F95]  }
0x30: {  	s3 =	sld [smem:$0x3F98]  }
0x31: {  	[smem:$0x3FA1] =	sst s10  }
0x32: {  	s10 =	sld [smem:$0x3F9F];
	_ =	sdelay $0x3  }
0x33: {  	p0 =	seq.s32 s10, $0x1;
	s10 =	sld [smem:$0x3FA1];
	_ =	sdelay $0x3  }
0x34: {  	[smem:$0x3FA1] =	sst s10  }
0x35: {  	s10 =	sld [smem:$0x3FA0];
	_ =	sdelay $0x3  }
0x36: {  	p1 =	seq.s32 s10, $0x1;
	s10 =	sld [smem:$0x3FA1];
	_ =	sdelay $0x3  }
0x37: {  	[smem:$0x3FA1] =	sst s10  }
0x38: {  	s10 =	sld [smem:$0x3FA2]  }
0x39: {  	_ = 	snop;
	(pc) =	sbr.ind lr, $3  }
0x3a: {  	_ = 	snop  }
0x3b: {  	_ = 	snop  }
0x3c: {  	p2 =	seq.s32 s10, $0x1;
	s10 =	sld [smem:$0x3FA1]  }
0x3d: {  	_ =	shalt  }
0x3e: {  	_ =	shalt  }
0x3f: {  	_ =	shalt  }
0x40: {  	_ =	shalt  }
0x41: {  	_ =	shalt  }
0x42: {  	_ =	shalt  }
0x43: {  	_ =	shalt  }
0x44: {  	_ =	shalt  }
0x45: {  	_ =	shalt  }
0x46: {  	_ =	shalt  }
0x47: {  	_ =	shalt  }
0x48: {  	_ =	shalt  }
0x49: {  	_ =	shalt  }
0x4a: {  	_ =	shalt  }
0x4b: {  	_ =	shalt  }
0x4c: {  	_ =	shalt  }
0x4d: {  	_ =	shalt  }
0x4e: {  	_ =	shalt  }
0x4f: {  	_ =	shalt  }
0x50: {  	_ =	shalt  }
0x51: {  	_ =	shalt  }
0x52: {  	_ =	shalt  }
0x53: {  	_ =	shalt  }
0x54: {  	_ =	shalt  }
0x55: {  	_ =	shalt  }
0x56: {  	_ =	shalt  }
0x57: {  	_ =	shalt  }
0x58: {  	_ =	shalt  }
0x59: {  	_ =	shalt  }
0x5a: {  	_ =	shalt  }
0x5b: {  	_ =	shalt  }
0x5c: {  	_ =	shalt  }
0x5d: {  	_ =	shalt  }
0x5e: {  	_ =	shalt  }
0x5f: {  	_ =	shalt  }
0x60: {  	_ =	shalt  }
0x61: {  	_ =	shalt  }
0x62: {  	_ =	shalt  }
0x63: {  	_ =	shalt  }
0x64: {  	_ =	shalt  }
0x65: {  	_ =	shalt  }
0x66: {  	_ =	shalt  }
0x67: {  	_ =	shalt  }
0x68: {  	_ =	shalt  }
0x69: {  	_ =	shalt  }
0x6a: {  	_ =	shalt  }
0x6b: {  	_ =	shalt  }
0x6c: {  	_ =	shalt  }
0x6d: {  	_ =	shalt  }
0x6e: {  	_ =	shalt  }
0x6f: {  	_ =	shalt  }
0x70: {  	_ =	shalt  }
0x71: {  	_ =	shalt  }
0x72: {  	_ =	shalt  }
0x73: {  	_ =	shalt  }
0x74: {  	_ =	shalt  }
0x75: {  	_ =	shalt  }
0x76: {  	_ =	shalt  }
0x77: {  	_ =	shalt  }
0x78: {  	_ =	shalt  }
0x79: {  	_ =	shalt  }
0x7a: {  	_ =	shalt  }
0x7b: {  	_ =	shalt  }
0x7c: {  	_ =	shalt  }
0x7d: {  	_ =	shalt  }
0x7e: {  	_ =	shalt  }
0x7f: {  	_ =	shalt  }
0x80: {  	_ =	shalt  }
0x81: {  	_ =	shalt  }
0x82: {  	_ =	shalt  }
0x83: {  	_ =	shalt  }
0x84: {  	_ =	shalt  }
0x85: {  	_ =	shalt  }
0x86: {  	_ =	shalt  }
0x87: {  	_ =	shalt  }
.Lfunc_end0:
.L_simem_size_0:
called_computation_lowered:
.L_overlay_start_0:
0x88: {  	s2 =	sld [smem:$0x3FD9]  }
0x89: {  	s3 =	sld [smem:$0x3FFE];
	_ =	sdelay $0x1  }
0x8a: {  	s1 =	srdreg.scid  }
0x8b: {  	s0 =	sand.u32 $0x1, s1  }
0x8c: {  	s14 =	sshll.u32 s0, $0xA;
	s2 =	sadd.s32 s3, s2  }
0x8d: {  	s2 =	sadd.s32 s2, s14  }
0x8e: {  	[smem:$0x3FAD] =	sst s2  }
0x8f: {  	_ = 	snop  }
0x90: {  	s2 =	sld [smem:$0x3FD0];
	_ =	sdelay $0x2  }
0x91: {  	s4 =	simm.s32 $0xA;
	s5 =	simm.s32 $0x10;
	s15 =	sld [smem:$0x3FC6]  }
0x92: {  	[smem:s5], [sflag:s4] =	dma.local [hbm:s2], $0x1  }
0x93: {  	_ =	swait.eq [sflag:s4], $0x1  }
0x94: {  	[sflag:s4] =	ssyncset.done $0x0  }
0x95: {  	[sflag:s4] =	ssyncadd.s32 $0xFFFFFFFF  }
0x96: {  	s16 =	sld [smem:$0x12];
	(tm) =	ssettm $0x1  }
0x97: {  	s17 =	sld [smem:$0x3FFB];
	_ =	sdelay $0x3  }
0x98: {  	_ =	strace s17  }
0x99: {  	s4 =	sld [smem:$0x3FFC];
	_ =	sdelay $0x3  }
0x9a: {  	_ =	strace s4  }
0x9b: {  	s4 =	sld [smem:$0x3FFD];
	_ =	sdelay $0x3  }
0x9c: {  	_ =	strace s4  }
0x9d: {  	_ =	strace $0x8FFFFFFF  }
0x9e: {  	s18 =	sld [smem:$0x3FDB];
	_ =	sdelay $0x1  }
0x9f: {  	s19 =	simm.s32 $_scs_section_size  }
0xa0: {  	s6 =	simm.s32 $_size__tile_overlayer_lowered;
	s7 =	simm.s32 $_tile_overlayer_lowered  }
0xa1: {  	s22 =	simm.s32 $0x1BFF;
	s21 =	sshll.u32 s7, $0x1;
	s4 =	sadd.s32 s19, s18  }
0xa2: {  	s8 =	simm.s32 $0x0;
	s20 =	sshll.u32 s6, $0x1;
	s6 =	sadd.s32 s21, s4  }
0xa3: {  	[timem:s8], [sflag:s22] =	dma.local [hbm:s6], s20  }
0xa4: {  	_ =	swait.ge [sflag:s22], s20  }
0xa5: {  	s5 =	ssub.s32 $0x0, s20;
	[sflag:s22] =	ssyncset.done $0x0  }
0xa6: {  	[sflag:s22] =	ssyncadd.s32 s5;
	_ =	sdelay $0x1  }
0xa7: {  	s23 =	simm.s32 $0x1B8B  }
0xa8: {  	_ =	swait.ge [sflag:s23], $0x1  }
0xa9: {  	[sflag:s23] =	ssyncset.done $0x0  }
0xaa: {  	s25 =	simm.s32 $0x1B8E;
	s24 =	sld [smem:$0x3FFE];
	[sflag:s23] =	ssyncadd.s32 $0xFFFFFFFF  }
0xab: {  	s26 =	simm.s32 $execute0_lowered;
	[smem:$0x3FD2] =	sst s25  }
0xac: {  	s6 =	sshll.u32 s26, $0x1;
	_ =	strace $0x80000046;
	[dreg:$0x1] =	wrdreg $0xFFFFFFFF  }
0xad: {  	s28 =	simm.s32 $_size_execute0_lowered;
	s4 =	sadd.s32 s4, s6;
	[dreg:$0x0] =	wrdreg $0x0  }
0xae: {  	s6 =	sshll.u32 s28, $0x1;
	[dreg:$0x2] =	wrdreg s4  }
0xaf: {  	[dreg:$0x3] =	wrdreg s6  }
0xb0: {  	[dreg:$0x4] =	wrdreg $0xC0  }
0xb1: {  	_ =	task [dreg:s8], $0x5FFFF  }
0xb2: {  	[dreg:$0x1] =	wrdreg $0xFFFFFFFF  }
0xb3: {  	[dreg:$0x0] =	wrdreg $0x60  }
0xb4: {  	[dreg:$0x2] =	wrdreg s15  }
0xb5: {  	[dreg:$0x3] =	wrdreg s16  }
0xb6: {  	[dreg:$0x4] =	wrdreg s24  }
0xb7: {  	[dreg:$0x5] =	wrdreg $0x9  }
0xb8: {  	_ =	task.clear_ibuf [dreg:s8], $0x6FFFF;
	_ =	strace $0x90000046  }
0xb9: {  	s29 =	simm.s32 $0x9;
	_ =	strace $0x80000048  }
0xba: {  	_ =	swait.ge [sflag:s29], $0x1  }
0xbb: {  	[sflag:s29] =	ssyncadd.s32 $0xFFFFFFFF  }
0xbc: {  	_ =	strace $0x90000048  }
0xbd: {  	_ =	sfence  }
0xbe: {  	s30 =	sld [smem:$0x0];
	_ =	sdelay $0x2  }
0xbf: {  	s31 =	sshll.u32 s1, $0xD;
	s1 =	sshrl.u32 s1, $0x2  }
0xc0: {  	s3 =	sand.u32 $0x4000, s31;
	s1 =	sadd.s32 s1, s30  }
0xc1: {  	s0 =	sor.u32 s3, s0;
	s1 =	sshll.u32 s1, $0x11  }
0xc2: {  	s0 =	sor.u32 s1, s0  }
0xc3: {  	s0 =	sadd.s32 $0x8F2B, s0  }
0xc4: {  	[sflag:s0] =	ssyncadd.remote.s32 $0x1  }
0xc5: {  	_ =	sfence.sel $0xFFFF  }
0xc6: {  	[dreg:$0x0] =	wrdreg $0xFFFFFFFF;
	(pc) =	sbr.abs _section_cstart, $3  }
0xc7: {  	[dreg:$0x1] =	wrdreg $0xFFFFFFFF  }
0xc8: {  	_ =	task.clear_ibuf [dreg:s8], $0x2FFFF;
	_ =	strace $0x9FFFFFFF  }
0xc9: {  	(tm) =	ssettm $0x7FFFFFFF  }
tec
execute0_lowered:
.L_overlay_start_1:
0x0: {  	(tag) =	ssettag $0x1  }
0x1: {  	s2 =	srdreg.scid  }
0x2: {  	s0 =	stileid.u32;
	s1 =	rddreg [dreg:$0x0]  }
0x3: {  	s4 =	rddreg [dreg:$0x1];
	s2 =	sand.u32 $0x1, s2;
	s3 =	sshll.u32 s0, $0x1  }
0x4: {  	s6 =	rddreg [dreg:$0x2];
	s5 =	sor.u32 s2, s3;
	s3 =	simm.s32 $0x0  }
0x5: {  	s23 =	simm.s32 $0x900;
	[smem:$0x7FF] =	sst s3  }
0x6: {  	s24 =	simm.s32 $0xD00;
	_ =	strace $0x80000047;
	[dreg:$0x6] =	wrdreg s23  }
0x7: {  	s25 =	simm.s32 $0x1500;
	[dreg:$0x7] =	wrdreg s24  }
0x8: {  	s26 =	simm.s32 $0x1900;
	[dreg:$0x8] =	wrdreg s25  }
0x9: {  	s0 =	simm.s32 $0x2100;
	[dreg:$0x9] =	wrdreg s26  }
0xa: {  	s8 =	simm.s32 $0x3900;
	[dreg:$0xa] =	wrdreg s0  }
0xb: {  	s9 =	simm.s32 $0x3D00;
	[dreg:$0xe] =	wrdreg s8  }
0xc: {  	s10 =	simm.s32 $0x4500;
	[dreg:$0xf] =	wrdreg s9  }
0xd: {  	s11 =	simm.s32 $0x4900;
	[dreg:$0x10] =	wrdreg s10  }
0xe: {  	s12 =	simm.s32 $0x5100;
	[dreg:$0x11] =	wrdreg s11  }
0xf: {  	s13 =	simm.s32 $0x5500;
	[dreg:$0x12] =	wrdreg s12  }
0x10: {  	s14 =	simm.s32 $0x5D00;
	[dreg:$0x13] =	wrdreg s13  }
0x11: {  	s15 =	simm.s32 $0x6100;
	s16 =	simm.s32 $0x6900;
	[dreg:$0x14] =	wrdreg s14  }
0x12: {  	s17 =	simm.s32 $0x6D00;
	s18 =	simm.s32 $0x7500;
	[dreg:$0x15] =	wrdreg s15  }
0x13: {  	s19 =	simm.s32 $0x7900;
	s20 =	simm.s32 $0x8100;
	[dreg:$0x16] =	wrdreg s16  }
0x14: {  	s21 =	simm.s32 $0x8500;
	s28 =	simm.s32 $0x11500;
	[dreg:$0x17] =	wrdreg s17  }
0x15: {  	s29 =	simm.s32 $0x11D00;
	s30 =	simm.s32 $0x12100;
	[dreg:$0x18] =	wrdreg s18  }
0x16: {  	s31 =	simm.s32 $0x12900;
	s7 =	smul.u32 $0x2580, s5;
	[dreg:$0x19] =	wrdreg s19  }
0x17: {  	s2 =	ssub.s32 $0x2, s2;
	s5 =	smul.u32 $0x19, s5;
	[dreg:$0x1a] =	wrdreg s20  }
0x18: {  	[dreg:$0x1b] =	wrdreg s21;
	s23 =	simm.s32 $0x8D00;
	s24 =	simm.s32 $0x9100  }
0x19: {  	s25 =	simm.s32 $0x9900;
	s26 =	simm.s32 $0x9D00;
	s9 =	simm.s32 $0xA900  }
0x1a: {  	s10 =	simm.s32 $0xB100;
	s11 =	simm.s32 $0xB500;
	s12 =	simm.s32 $0xBD00  }
0x1b: {  	s13 =	simm.s32 $0xC100;
	s14 =	simm.s32 $0xC900;
	s15 =	simm.s32 $0xCD00  }
0x1c: {  	s16 =	simm.s32 $0xD500;
	s17 =	simm.s32 $0xD900;
	s18 =	simm.s32 $0xE100  }
0x1d: {  	s19 =	simm.s32 $0xE500;
	s20 =	simm.s32 $0xED00;
	[dreg:$0x1c] =	wrdreg s23  }
0x1e: {  	s21 =	simm.s32 $0xF100;
	s6 =	sadd.s32 s7, s6;
	[dreg:$0x1d] =	wrdreg s24  }
0x1f: {  	s4 =	sadd.s32 s4, s5;
	s5 =	simm.s32 $0x2500;
	[dreg:$0x1e] =	wrdreg s25  }
0x20: {  	s7 =	simm.s32 $0x3100;
	[dreg:$0x1f] =	wrdreg s26;
	s23 =	simm.s32 $0xFD00  }
0x21: {  	s24 =	simm.s32 $0x10500;
	s25 =	simm.s32 $0x10900;
	[dreg:$0x4] =	wrdreg s4  }
0x22: {  	s26 =	simm.s32 $0x11100;
	s22 =	sadd.s32 $0x4C00, s6;
	[dreg:$0xb] =	wrdreg s5  }
0x23: {  	s6 =	simm.s32 $0x2D00;
	[dreg:$0xd] =	wrdreg s7;
	s4 =	sadd.s32 $0x100, s1  }
0x24: {  	v2 =	vlaneseq.u32;
	s7 =	simm.s32 $0x100;
	[dreg:$0x5] =	wrdreg s22;
	s22 =	sshrl.u32 s2, $0x1  }
0x25: {  	vm0 =	vmmov $0xffff;
	vm1 =	vmmov $0xff;
	v1 =	vshrl.u32 v2, $0x3;
	[dreg:$0xc] =	wrdreg s6;
	s6 =	simm.s32 $0x2;
	s2 =	ssub.s32 s2, s22  }
0x26: {  	v0 =	vand.u32 $0x7, v2;
	v2 =	vor.u32 $0x8, v2;
	v1 =	vmul.u32 $0x8, v1;
	s22 =	simm.s32 $0xF900;
	s5 =	smax.u32 s2, $0x1;
	s2 =	simm.s32 $0x1  }
.LBB2_1:
0x27: {  	s0 =	rddreg [dreg:$0x4]  }
0x28: {  	[tilespmem:s3], [sflag:$0x2] =	stream.linear.gather [hbm4b:s0+s3], $0xC8, $0x38;
	[tilespmem:$0x12D00] =	vst v63  }
0x29: {  	_ =	swait.ge [sflag:s6], $0xC8  }
0x2a: {  	[sflag:s6] =	ssyncset.done $0x0  }
0x2b: {  	[sflag:s6] =	ssyncadd.s32 $0xFFFFFF38  }
0x2c: {  	v3 =	vld [tilespmem:$0x0];
	_ =	sdelay $0x4  }
0x2d: {  	v4 =	vshrl.u32 v3, $0x3  }
0x2e: {  	v4 =	vmul.u32 $0x18, v4  }
0x2f: {  	v3 =	vand.u32 $0x7, v3  }
0x30: {  	v3 =	vor.u32 v3, v4  }
0x31: {  	v4 =	vperm.xlane v3, v0;
	_ =	sdelay $0x1  }
0x32: {  	v4 =	vadd.s32 v1, v4;
	_ =	sdelay $0x1  }
0x33: {  	v3 =	vperm.xlane v3, v2;
	_ =	sdelay $0x1  }
0x34: {  	v3 =	vadd.s32 v1, v3  }
0x35: {  	[tilespmem:s7], [sflag:$0x1] =	stream.indirect_vreg.gather [hbm4b:s1+s3], $0x80, v4, vm0, $0xb8;
	[tilespmem:$0x12D00] =	vst v63  }
0x36: {  	s0 =	rddreg [dreg:$0x6]  }
0x37: {  	[tilespmem:s0], [sflag:$0x1] =	stream.indirect_vreg.gather [hbm4b:s4+s3], $0x80, v4, vm1, $0xb8;
	[tilespmem:$0x12D00] =	vst v63  }
0x38: {  	s8 =	rddreg [dreg:$0x7]  }
0x39: {  	[tilespmem:s8], [sflag:$0x1] =	stream.indirect_vreg.gather [hbm4b:s1+s3], $0x80, v3, vm0, $0xb8;
	[tilespmem:$0x12D00] =	vst v63  }
0x3a: {  	s0 =	rddreg [dreg:$0x8]  }
0x3b: {  	[tilespmem:s0], [sflag:$0x1] =	stream.indirect_vreg.gather [hbm4b:s4+s3], $0x80, v3, vm1, $0xb8;
	[tilespmem:$0x12D00] =	vst v63  }
0x3c: {  	v3 =	vld [tilespmem:$0x10];
	_ =	sdelay $0x4  }
0x3d: {  	v52 =	vshrl.u32 v3, $0x3  }
0x3e: {  	v4 =	vmul.u32 $0x18, v52  }
0x3f: {  	v3 =	vand.u32 $0x7, v3  }
0x40: {  	v3 =	vor.u32 v3, v4  }
0x41: {  	v4 =	vperm.xlane v3, v0;
	_ =	sdelay $0x1  }
0x42: {  	v4 =	vadd.s32 v1, v4;
	_ =	sdelay $0x1  }
0x43: {  	v3 =	vperm.xlane v3, v2;
	_ =	sdelay $0x1  }
0x44: {  	s0 =	rddreg [dreg:$0x9];
	v3 =	vadd.s32 v1, v3  }
0x45: {  	[tilespmem:s0], [sflag:$0x1] =	stream.indirect_vreg.gather [hbm4b:s1+s3], $0x80, v4, vm0, $0xb8;
	[tilespmem:$0x12D00] =	vst v63  }
0x46: {  	s8 =	rddreg [dreg:$0xa]  }
0x47: {  	[tilespmem:s8], [sflag:$0x1] =	stream.indirect_vreg.gather [hbm4b:s4+s3], $0x80, v4, vm1, $0xb8;
	[tilespmem:$0x12D00] =	vst v63  }
0x48: {  	s0 =	rddreg [dreg:$0xb]  }
0x49: {  	[tilespmem:s0], [sflag:$0x1] =	stream.indirect_vreg.gather [hbm4b:s1+s3], $0x80, v3, vm0, $0xb8;
	[tilespmem:$0x12D00] =	vst v63  }
0x4a: {  	s8 =	rddreg [dreg:$0xc]  }
0x4b: {  	[tilespmem:s8], [sflag:$0x1] =	stream.indirect_vreg.gather [hbm4b:s4+s3], $0x80, v3, vm1, $0xb8;
	[tilespmem:$0x12D00] =	vst v63  }
0x4c: {  	v3 =	vld [tilespmem:$0x20];
	_ =	sdelay $0x4  }
0x4d: {  	v53 =	vshrl.u32 v3, $0x3  }
0x4e: {  	v4 =	vmul.u32 $0x18, v53  }
0x4f: {  	v3 =	vand.u32 $0x7, v3  }
0x50: {  	v3 =	vor.u32 v3, v4  }
0x51: {  	v4 =	vperm.xlane v3, v0;
	_ =	sdelay $0x1  }
0x52: {  	v4 =	vadd.s32 v1, v4;
	_ =	sdelay $0x1  }
0x53: {  	v3 =	vperm.xlane v3, v2;
	_ =	sdelay $0x1  }
0x54: {  	s0 =	rddreg [dreg:$0xd];
	v3 =	vadd.s32 v1, v3  }
0x55: {  	[tilespmem:s0], [sflag:$0x1] =	stream.indirect_vreg.gather [hbm4b:s1+s3], $0x80, v4, vm0, $0xb8;
	[tilespmem:$0x12D00] =	vst v63  }
0x56: {  	s8 =	rddreg [dreg:$0xe]  }
0x57: {  	[tilespmem:s8], [sflag:$0x1] =	stream.indirect_vreg.gather [hbm4b:s4+s3], $0x80, v4, vm1, $0xb8;
	[tilespmem:$0x12D00] =	vst v63  }
0x58: {  	s0 =	rddreg [dreg:$0xf]  }
0x59: {  	[tilespmem:s0], [sflag:$0x1] =	stream.indirect_vreg.gather [hbm4b:s1+s3], $0x80, v3, vm0, $0xb8;
	[tilespmem:$0x12D00] =	vst v63  }
0x5a: {  	s8 =	rddreg [dreg:$0x10]  }
0x5b: {  	[tilespmem:s8], [sflag:$0x1] =	stream.indirect_vreg.gather [hbm4b:s4+s3], $0x80, v3, vm1, $0xb8;
	[tilespmem:$0x12D00] =	vst v63  }
0x5c: {  	v3 =	vld [tilespmem:$0x30];
	_ =	sdelay $0x4  }
0x5d: {  	v54 =	vshrl.u32 v3, $0x3  }
0x5e: {  	v4 =	vmul.u32 $0x18, v54  }
0x5f: {  	v3 =	vand.u32 $0x7, v3  }
0x60: {  	v3 =	vor.u32 v3, v4  }
0x61: {  	v4 =	vperm.xlane v3, v0;
	_ =	sdelay $0x1  }
0x62: {  	v4 =	vadd.s32 v1, v4;
	_ =	sdelay $0x1  }
0x63: {  	v3 =	vperm.xlane v3, v2;
	_ =	sdelay $0x1  }
0x64: {  	s0 =	rddreg [dreg:$0x11];
	v3 =	vadd.s32 v1, v3  }
0x65: {  	[tilespmem:s0], [sflag:$0x1] =	stream.indirect_vreg.gather [hbm4b:s1+s3], $0x80, v4, vm0, $0xb8;
	[tilespmem:$0x12D00] =	vst v63  }
0x66: {  	s8 =	rddreg [dreg:$0x12]  }
0x67: {  	[tilespmem:s8], [sflag:$0x1] =	stream.indirect_vreg.gather [hbm4b:s4+s3], $0x80, v4, vm1, $0xb8;
	[tilespmem:$0x12D00] =	vst v63  }
0x68: {  	s0 =	rddreg [dreg:$0x13]  }
0x69: {  	[tilespmem:s0], [sflag:$0x1] =	stream.indirect_vreg.gather [hbm4b:s1+s3], $0x80, v3, vm0, $0xb8;
	[tilespmem:$0x12D00] =	vst v63  }
0x6a: {  	s8 =	rddreg [dreg:$0x14]  }
0x6b: {  	[tilespmem:s8], [sflag:$0x1] =	stream.indirect_vreg.gather [hbm4b:s4+s3], $0x80, v3, vm1, $0xb8;
	[tilespmem:$0x12D00] =	vst v63  }
0x6c: {  	v3 =	vld [tilespmem:$0x40];
	_ =	sdelay $0x4  }
0x6d: {  	v55 =	vshrl.u32 v3, $0x3  }
0x6e: {  	v4 =	vmul.u32 $0x18, v55  }
0x6f: {  	v3 =	vand.u32 $0x7, v3  }
0x70: {  	v3 =	vor.u32 v3, v4  }
0x71: {  	v4 =	vperm.xlane v3, v0;
	_ =	sdelay $0x1  }
0x72: {  	v4 =	vadd.s32 v1, v4;
	_ =	sdelay $0x1  }
0x73: {  	v3 =	vperm.xlane v3, v2;
	_ =	sdelay $0x1  }
0x74: {  	s0 =	rddreg [dreg:$0x15];
	v3 =	vadd.s32 v1, v3  }
0x75: {  	[tilespmem:s0], [sflag:$0x1] =	stream.indirect_vreg.gather [hbm4b:s1+s3], $0x80, v4, vm0, $0xb8;
	[tilespmem:$0x12D00] =	vst v63  }
0x76: {  	s8 =	rddreg [dreg:$0x16]  }
0x77: {  	[tilespmem:s8], [sflag:$0x1] =	stream.indirect_vreg.gather [hbm4b:s4+s3], $0x80, v4, vm1, $0xb8;
	[tilespmem:$0x12D00] =	vst v63  }
0x78: {  	s0 =	rddreg [dreg:$0x17]  }
0x79: {  	[tilespmem:s0], [sflag:$0x1] =	stream.indirect_vreg.gather [hbm4b:s1+s3], $0x80, v3, vm0, $0xb8;
	[tilespmem:$0x12D00] =	vst v63  }
0x7a: {  	s8 =	rddreg [dreg:$0x18]  }
0x7b: {  	[tilespmem:s8], [sflag:$0x1] =	stream.indirect_vreg.gather [hbm4b:s4+s3], $0x80, v3, vm1, $0xb8;
	[tilespmem:$0x12D00] =	vst v63  }
0x7c: {  	v3 =	vld [tilespmem:$0x50];
	_ =	sdelay $0x4  }
0x7d: {  	v56 =	vshrl.u32 v3, $0x3  }
0x7e: {  	v4 =	vmul.u32 $0x18, v56  }
0x7f: {  	v3 =	vand.u32 $0x7, v3  }
0x80: {  	v3 =	vor.u32 v3, v4  }
0x81: {  	v4 =	vperm.xlane v3, v0;
	_ =	sdelay $0x1  }
0x82: {  	v4 =	vadd.s32 v1, v4;
	_ =	sdelay $0x1  }
0x83: {  	v3 =	vperm.xlane v3, v2;
	_ =	sdelay $0x1  }
0x84: {  	s0 =	rddreg [dreg:$0x19];
	v3 =	vadd.s32 v1, v3  }
0x85: {  	[tilespmem:s0], [sflag:$0x1] =	stream.indirect_vreg.gather [hbm4b:s1+s3], $0x80, v4, vm0, $0xb8;
	[tilespmem:$0x12D00] =	vst v63  }
0x86: {  	s8 =	rddreg [dreg:$0x1a]  }
0x87: {  	[tilespmem:s8], [sflag:$0x1] =	stream.indirect_vreg.gather [hbm4b:s4+s3], $0x80, v4, vm1, $0xb8;
	[tilespmem:$0x12D00] =	vst v63  }
0x88: {  	s0 =	rddreg [dreg:$0x1b]  }
0x89: {  	[tilespmem:s0], [sflag:$0x1] =	stream.indirect_vreg.gather [hbm4b:s1+s3], $0x80, v3, vm0, $0xb8;
	[tilespmem:$0x12D00] =	vst v63  }
0x8a: {  	s8 =	rddreg [dreg:$0x1c]  }
0x8b: {  	[tilespmem:s8], [sflag:$0x1] =	stream.indirect_vreg.gather [hbm4b:s4+s3], $0x80, v3, vm1, $0xb8;
	[tilespmem:$0x12D00] =	vst v63  }
0x8c: {  	v3 =	vld [tilespmem:$0x60];
	_ =	sdelay $0x4  }
0x8d: {  	v57 =	vshrl.u32 v3, $0x3  }
0x8e: {  	v4 =	vmul.u32 $0x18, v57  }
0x8f: {  	v3 =	vand.u32 $0x7, v3  }
0x90: {  	v3 =	vor.u32 v3, v4  }
0x91: {  	v4 =	vperm.xlane v3, v0;
	_ =	sdelay $0x1  }
0x92: {  	v4 =	vadd.s32 v1, v4;
	_ =	sdelay $0x1  }
0x93: {  	v3 =	vperm.xlane v3, v2;
	_ =	sdelay $0x1  }
0x94: {  	s0 =	rddreg [dreg:$0x1d];
	v3 =	vadd.s32 v1, v3  }
0x95: {  	[tilespmem:s0], [sflag:$0x1] =	stream.indirect_vreg.gather [hbm4b:s1+s3], $0x80, v4, vm0, $0xb8;
	[tilespmem:$0x12D00] =	vst v63  }
0x96: {  	s8 =	rddreg [dreg:$0x1e]  }
0x97: {  	[tilespmem:s8], [sflag:$0x1] =	stream.indirect_vreg.gather [hbm4b:s4+s3], $0x80, v4, vm1, $0xb8;
	[tilespmem:$0x12D00] =	vst v63  }
0x98: {  	s0 =	rddreg [dreg:$0x1f]  }
0x99: {  	[tilespmem:s0], [sflag:$0x1] =	stream.indirect_vreg.gather [hbm4b:s1+s3], $0x80, v3, vm0, $0xb8;
	[tilespmem:$0x12D00] =	vst v63  }
0x9a: {  	s8 =	simm.s32 $0xA500  }
0x9b: {  	[tilespmem:s8], [sflag:$0x1] =	stream.indirect_vreg.gather [hbm4b:s4+s3], $0x80, v3, vm1, $0xb8;
	[tilespmem:$0x12D00] =	vst v63  }
0x9c: {  	v3 =	vld [tilespmem:$0x70];
	_ =	sdelay $0x4  }
0x9d: {  	v58 =	vshrl.u32 v3, $0x3  }
0x9e: {  	v4 =	vmul.u32 $0x18, v58  }
0x9f: {  	v3 =	vand.u32 $0x7, v3  }
0xa0: {  	v3 =	vor.u32 v3, v4  }
0xa1: {  	v4 =	vperm.xlane v3, v0;
	_ =	sdelay $0x1  }
0xa2: {  	v4 =	vadd.s32 v1, v4;
	_ =	sdelay $0x1  }
0xa3: {  	v3 =	vperm.xlane v3, v2;
	_ =	sdelay $0x1  }
0xa4: {  	v3 =	vadd.s32 v1, v3  }
0xa5: {  	[tilespmem:s9], [sflag:$0x1] =	stream.indirect_vreg.gather [hbm4b:s1+s3], $0x80, v4, vm0, $0xb8;
	[tilespmem:$0x12D00] =	vst v63  }
0xa6: {  	_ = 	snop  }
0xa7: {  	[tilespmem:s10], [sflag:$0x1] =	stream.indirect_vreg.gather [hbm4b:s4+s3], $0x80, v4, vm1, $0xb8;
	[tilespmem:$0x12D00] =	vst v63  }
0xa8: {  	_ = 	snop  }
0xa9: {  	[tilespmem:s11], [sflag:$0x1] =	stream.indirect_vreg.gather [hbm4b:s1+s3], $0x80, v3, vm0, $0xb8;
	[tilespmem:$0x12D00] =	vst v63  }
0xaa: {  	_ = 	snop  }
0xab: {  	[tilespmem:s12], [sflag:$0x1] =	stream.indirect_vreg.gather [hbm4b:s4+s3], $0x80, v3, vm1, $0xb8;
	[tilespmem:$0x12D00] =	vst v63  }
0xac: {  	v3 =	vld [tilespmem:$0x80];
	_ =	sdelay $0x4  }
0xad: {  	v59 =	vshrl.u32 v3, $0x3  }
0xae: {  	v4 =	vmul.u32 $0x18, v59  }
0xaf: {  	v3 =	vand.u32 $0x7, v3  }
0xb0: {  	v3 =	vor.u32 v3, v4  }
0xb1: {  	v4 =	vperm.xlane v3, v0;
	_ =	sdelay $0x1  }
0xb2: {  	v4 =	vadd.s32 v1, v4;
	_ =	sdelay $0x1  }
0xb3: {  	v3 =	vperm.xlane v3, v2;
	_ =	sdelay $0x1  }
0xb4: {  	v3 =	vadd.s32 v1, v3  }
0xb5: {  	[tilespmem:s13], [sflag:$0x1] =	stream.indirect_vreg.gather [hbm4b:s1+s3], $0x80, v4, vm0, $0xb8;
	[tilespmem:$0x12D00] =	vst v63  }
0xb6: {  	_ = 	snop  }
0xb7: {  	[tilespmem:s14], [sflag:$0x1] =	stream.indirect_vreg.gather [hbm4b:s4+s3], $0x80, v4, vm1, $0xb8;
	[tilespmem:$0x12D00] =	vst v63  }
0xb8: {  	_ = 	snop  }
0xb9: {  	[tilespmem:s15], [sflag:$0x1] =	stream.indirect_vreg.gather [hbm4b:s1+s3], $0x80, v3, vm0, $0xb8;
	[tilespmem:$0x12D00] =	vst v63  }
0xba: {  	_ = 	snop  }
0xbb: {  	[tilespmem:s16], [sflag:$0x1] =	stream.indirect_vreg.gather [hbm4b:s4+s3], $0x80, v3, vm1, $0xb8;
	[tilespmem:$0x12D00] =	vst v63  }
0xbc: {  	v3 =	vld [tilespmem:$0x90];
	_ =	sdelay $0x4  }
0xbd: {  	v60 =	vshrl.u32 v3, $0x3  }
0xbe: {  	v4 =	vmul.u32 $0x18, v60  }
0xbf: {  	v3 =	vand.u32 $0x7, v3  }
0xc0: {  	v3 =	vor.u32 v3, v4  }
0xc1: {  	v4 =	vperm.xlane v3, v0;
	_ =	sdelay $0x1  }
0xc2: {  	v4 =	vadd.s32 v1, v4;
	_ =	sdelay $0x1  }
0xc3: {  	v3 =	vperm.xlane v3, v2;
	_ =	sdelay $0x1  }
0xc4: {  	v3 =	vadd.s32 v1, v3  }
0xc5: {  	[tilespmem:s17], [sflag:$0x1] =	stream.indirect_vreg.gather [hbm4b:s1+s3], $0x80, v4, vm0, $0xb8;
	[tilespmem:$0x12D00] =	vst v63  }
0xc6: {  	_ = 	snop  }
0xc7: {  	[tilespmem:s18], [sflag:$0x1] =	stream.indirect_vreg.gather [hbm4b:s4+s3], $0x80, v4, vm1, $0xb8;
	[tilespmem:$0x12D00] =	vst v63  }
0xc8: {  	_ = 	snop  }
0xc9: {  	[tilespmem:s19], [sflag:$0x1] =	stream.indirect_vreg.gather [hbm4b:s1+s3], $0x80, v3, vm0, $0xb8;
	[tilespmem:$0x12D00] =	vst v63  }
0xca: {  	_ = 	snop  }
0xcb: {  	[tilespmem:s20], [sflag:$0x1] =	stream.indirect_vreg.gather [hbm4b:s4+s3], $0x80, v3, vm1, $0xb8;
	[tilespmem:$0x12D00] =	vst v63  }
0xcc: {  	v3 =	vld [tilespmem:$0xA0];
	_ =	sdelay $0x4  }
0xcd: {  	v61 =	vshrl.u32 v3, $0x3  }
0xce: {  	v4 =	vmul.u32 $0x18, v61  }
0xcf: {  	v3 =	vand.u32 $0x7, v3  }
0xd0: {  	v3 =	vor.u32 v3, v4  }
0xd1: {  	v4 =	vperm.xlane v3, v0;
	_ =	sdelay $0x1  }
0xd2: {  	v4 =	vadd.s32 v1, v4;
	_ =	sdelay $0x1  }
0xd3: {  	v3 =	vperm.xlane v3, v2;
	_ =	sdelay $0x1  }
0xd4: {  	v3 =	vadd.s32 v1, v3  }
0xd5: {  	[tilespmem:s21], [sflag:$0x1] =	stream.indirect_vreg.gather [hbm4b:s1+s3], $0x80, v4, vm0, $0xb8;
	[tilespmem:$0x12D00] =	vst v63  }
0xd6: {  	_ = 	snop  }
0xd7: {  	[tilespmem:s22], [sflag:$0x1] =	stream.indirect_vreg.gather [hbm4b:s4+s3], $0x80, v4, vm1, $0xb8;
	[tilespmem:$0x12D00] =	vst v63  }
0xd8: {  	_ = 	snop  }
0xd9: {  	[tilespmem:s23], [sflag:$0x1] =	stream.indirect_vreg.gather [hbm4b:s1+s3], $0x80, v3, vm0, $0xb8;
	[tilespmem:$0x12D00] =	vst v63  }
0xda: {  	_ = 	snop  }
0xdb: {  	[tilespmem:s24], [sflag:$0x1] =	stream.indirect_vreg.gather [hbm4b:s4+s3], $0x80, v3, vm1, $0xb8;
	[tilespmem:$0x12D00] =	vst v63  }
0xdc: {  	v3 =	vld [tilespmem:$0xB0];
	_ =	sdelay $0x4  }
0xdd: {  	v62 =	vshrl.u32 v3, $0x3  }
0xde: {  	v4 =	vmul.u32 $0x18, v62  }
0xdf: {  	v3 =	vand.u32 $0x7, v3  }
0xe0: {  	v3 =	vor.u32 v3, v4  }
0xe1: {  	v4 =	vperm.xlane v3, v0;
	_ =	sdelay $0x1  }
0xe2: {  	v4 =	vadd.s32 v1, v4;
	_ =	sdelay $0x1  }
0xe3: {  	v3 =	vperm.xlane v3, v2;
	_ =	sdelay $0x1  }
0xe4: {  	v3 =	vadd.s32 v1, v3  }
0xe5: {  	[tilespmem:s25], [sflag:$0x1] =	stream.indirect_vreg.gather [hbm4b:s1+s3], $0x80, v4, vm0, $0xb8;
	[tilespmem:$0x12D00] =	vst v63  }
0xe6: {  	_ = 	snop  }
0xe7: {  	[tilespmem:s26], [sflag:$0x1] =	stream.indirect_vreg.gather [hbm4b:s4+s3], $0x80, v4, vm1, $0xb8;
	[tilespmem:$0x12D00] =	vst v63  }
0xe8: {  	_ = 	snop  }
0xe9: {  	[tilespmem:s28], [sflag:$0x1] =	stream.indirect_vreg.gather [hbm4b:s1+s3], $0x80, v3, vm0, $0xb8;
	[tilespmem:$0x12D00] =	vst v63  }
0xea: {  	_ = 	snop  }
0xeb: {  	[tilespmem:s29], [sflag:$0x1] =	stream.indirect_vreg.gather [hbm4b:s4+s3], $0x80, v3, vm1, $0xb8;
	[tilespmem:$0x12D00] =	vst v63  }
0xec: {  	v3 =	vld.msk [tilespmem:$0xC0], $0xff;
	_ =	sdelay $0x4  }
0xed: {  	v63 =	vshrl.u32 v3, $0x3  }
0xee: {  	v4 =	vmul.u32 $0x18, v63  }
0xef: {  	v3 =	vand.u32 $0x7, v3  }
0xf0: {  	v3 =	vor.u32 v3, v4  }
0xf1: {  	v3 =	vperm.xlane v3, v0;
	_ =	sdelay $0x1  }
0xf2: {  	v3 =	vadd.s32 v1, v3;
	_ =	sdelay $0x4  }
0xf3: {  	[tilespmem:s30], [sflag:$0x1] =	stream.indirect_vreg.gather [hbm4b:s1+s3], $0x80, v3, vm0, $0xb8;
	[tilespmem:$0x12D00] =	vst v63  }
0xf4: {  	_ = 	snop  }
0xf5: {  	[tilespmem:s31], [sflag:$0x1] =	stream.indirect_vreg.gather [hbm4b:s4+s3], $0x80, v3, vm1, $0xb8;
	[tilespmem:$0x12D00] =	vst v63  }
0xf6: {  	_ =	swait.ge [sflag:s2], $0x12C00  }
0xf7: {  	p0 =	sne.s32 s5, $0x1;
	[sflag:s2] =	ssyncset.done $0x0  }
.Ltmp0:
0xf8: {  	s8 =	rddreg [dreg:$0x5];
	[sflag:s2] =	ssyncadd.s32 $0xFFFED400;
	(pc) =	sbr.rel @p0 .LBB2_1-.Ltmp0, $4  }
0xf9: {  	[hbm4b:s8+s3] =	stream.linear.scatter [tilespmem:s7], [sflag:$0x2], $0x12C00, $0x38;
	[tilespmem:$0x12D00] =	vst v63  }
0xfa: {  	_ =	swait.ge [sflag:s6], $0x12C00  }
0xfb: {  	[sflag:s6] =	ssyncset.done $0x0  }
0xfc: {  	s5 =	sadd.s32 $0xFFFFFFFF, s5;
	[sflag:s6] =	ssyncadd.s32 $0xFFFED400  }
0xfd: {  	_ =	sfence.sel $0x180000  }
0xfe: {  	[bflag:$0x0] =	sbarrier.arrive $0xFFFF  }
0xff: {  	_ =	strace $0x90000047  }
0x100: {  	s0 =	stileid.u32;
	[bflag:$0x2] =	sbarrier.arrive $0xFFFF  }
0x101: {  	p0 =	sne.s32 s0, $0x0;
	s0 =	rddreg [dreg:$0x3]  }
0x102: {  	s0 =	sadd.s32 @!p0 $0x100000, s0  }
0x103: {  	[sflag:s0] =	ssyncadd.tile.s32 @!p0 $0x1;
	_ =	shalt  }
.Lfunc_end2:
_tile_overlayer_lowered:
.L_overlay_start_2:
0x104: {  	(tag) =	ssettag $0x2  }
0x105: {  	s0 =	rddreg [dreg:$0x0];
	s2 =	stileid.u32  }
0x106: {  	s1 =	rddreg [dreg:$0x1];
	p0 =	sne.s32 s2, $0x0  }
0x107: {  	s3 =	rddreg [dreg:$0x2];
	[bflag:$0x3] =	sbarrier.arrive $0xFFFF;
	s2 =	simm.s32 @!p0 $0x1C02  }
0x108: {  	[timem:s3], [sflag:s2] =	dma.local @!p0 [hbm:s0], s1  }
0x109: {  	s0 =	simm.s32 @!p0 $0x2  }
0x10a: {  	_ =	swait.ge @!p0 [sflag:s0], s1  }
0x10b: {  	s1 =	ssub.s32 @!p0 $0x0, s1;
	[sflag:s0] =	ssyncset.done @!p0 $0x0  }
0x10c: {  	[sflag:s0] =	ssyncadd.s32 @!p0 s1  }
0x10d: {  	[bflag:$0x3] =	sbarrier.arrive $0xFFFF  }
0x10e: {  	_ =	shalt  }

// kernel: kernel.14.cloned.1.call-start
scs
__scs_entry_jumppad:
0x0: {  	(pc) =	sbr.rel $0x88, $3  }
0x1: {  	(tag) =	ssettag $0x0;
	lr =	simm.s32 $0x1  }
0x2: {  	[smem:$0x3F86] =	sst lr;
	_ =	strace $0xD0000000  }
0x3: {  	_ = 	snop  }
0x4: {  	_ = 	snop  }
0x5: {  	_ = 	snop  }
0x6: {  	_ = 	snop  }
0x7: {  	_ = 	snop  }
__scs_overlays_trampoline_lowered:
0x8: {  	[smem:$0x3F95] =	sst s0  }
0x9: {  	[smem:$0x3F96] =	sst s1  }
0xa: {  	[smem:$0x3F97] =	sst s2  }
0xb: {  	[smem:$0x3F98] =	sst s3  }
0xc: {  	[smem:$0x3F99] =	sst s4  }
0xd: {  	[smem:$0x3F9A] =	sst s5  }
0xe: {  	[smem:$0x3F9B] =	sst s6  }
0xf: {  	[smem:$0x3F9C] =	sst s7  }
0x10: {  	[smem:$0x3F9D] =	sst s8  }
0x11: {  	[smem:$0x3F9E] =	sst s9;
	s0 =	simm.s32 @!p0 $0x0  }
0x12: {  	s1 =	sld [smem:$0x3F84];
	s0 =	simm.s32 @p0 $0x1  }
0x13: {  	[smem:$0x3F9F] =	sst s0;
	s0 =	simm.s32 @!p1 $0x0  }
0x14: {  	s2 =	sld [smem:$0x3F83];
	s0 =	simm.s32 @p1 $0x1  }
0x15: {  	[smem:$0x3FA0] =	sst s0;
	s0 =	simm.s32 @!p2 $0x0  }
0x16: {  	s3 =	sld [smem:$0x3FDB];
	s0 =	simm.s32 @p2 $0x1  }
0x17: {  	s4 =	simm.s32 $0x1BF5;
	[smem:$0x3FA2] =	sst s0  }
0x18: {  	s0 =	sld [smem:$0x3F85];
	_ =	swait.ge [sflag:s4], $0x0  }
0x19: {  	s7 =	sld [smem:$0x3F86]  }
0x1a: {  	s8 =	sadd.s32 $0xFFFFE003, lr  }
0x1b: {  	s9 =	sadd.s32 $0xFFFFFEF7, lr;
	s5 =	simm.s32 $0xFFFFFFFF;
	p2 =	slt.u32 s8, $0xFFFFF086  }
0x1c: {  	p1 =	slt.u32 s9, $0xF7A;
	s5 =	simm.s32 @!p2 $0x0  }
0x1d: {  	s5 =	simm.s32 @p1 $0x1;
	p0 =	seq.s32 s7, s2  }
0x1e: {  	s7 =	smul.u32 @!p0 $0xF7A, s2;
	p2 =	seq.s32 @!p0 s5, $0x0  }
0x1f: {  	s9 =	smul.u32 $0xF7A, s1;
	s8 =	simm.s32 @!p0 $0x1BF5;
	p2 =	por !p2, p0  }
0x20: {  	[sflag:s8] =	ssyncset.s32 @!p0 $0xFFFFF086;
	s6 =	sadd.s32 @!p0 s3, s7;
	s7 =	simm.s32 @!p0 $0x108  }
0x21: {  	s3 =	sadd.s32 s3, s9;
	s6 =	sadd.s32 @!p0 $0x88, s6;
	s7 =	simm.s32 @p2 $0x1082  }
0x22: {  	[simem:s7], [sflag:s8] =	dma.local @!p0 [hbm:s6], $0xF7A  }
0x23: {  	s9 =	sor.u32 $0xD0000000, s2;
	s6 =	simm.s32 $0x108;
	_ =	swait.ge @!p0 [sflag:s8], $0x0  }
0x24: {  	s3 =	sadd.s32 $0x88, s3;
	s6 =	simm.s32 @!p1 $0x1082;
	[sflag:s4] =	ssyncset.s32 $0xFFFFF086  }
0x25: {  	[simem:s6], [sflag:s4] =	dma.local [hbm:s3], $0xF7A  }
0x26: {  	[smem:$0x3F86] =	sst s1;
	(tag) =	ssettag s2;
	_ =	strace s9  }
0x27: {  	s1 =	sld [smem:$0x3F96]  }
0x28: {  	s2 =	sld [smem:$0x3F97]  }
0x29: {  	s4 =	sld [smem:$0x3F99]  }
0x2a: {  	p0 =	seq.s32 s5, $0x0;
	s5 =	sld [smem:$0x3F9A]  }
0x2b: {  	s6 =	sld [smem:$0x3F9B]  }
0x2c: {  	s7 =	sld [smem:$0x3F9C]  }
0x2d: {  	s3 =	simm.s32 $0x108;
	s8 =	sld [smem:$0x3F9D]  }
0x2e: {  	s3 =	simm.s32 @!p0 $0x1082;
	s9 =	sld [smem:$0x3F9E]  }
0x2f: {  	lr =	sadd.s32 s0, s3;
	s0 =	sld [smem:$0x3F95]  }
0x30: {  	s3 =	sld [smem:$0x3F98]  }
0x31: {  	[smem:$0x3FA1] =	sst s10  }
0x32: {  	s10 =	sld [smem:$0x3F9F];
	_ =	sdelay $0x3  }
0x33: {  	p0 =	seq.s32 s10, $0x1;
	s10 =	sld [smem:$0x3FA1];
	_ =	sdelay $0x3  }
0x34: {  	[smem:$0x3FA1] =	sst s10  }
0x35: {  	s10 =	sld [smem:$0x3FA0];
	_ =	sdelay $0x3  }
0x36: {  	p1 =	seq.s32 s10, $0x1;
	s10 =	sld [smem:$0x3FA1];
	_ =	sdelay $0x3  }
0x37: {  	[smem:$0x3FA1] =	sst s10  }
0x38: {  	s10 =	sld [smem:$0x3FA2]  }
0x39: {  	_ = 	snop;
	(pc) =	sbr.ind lr, $3  }
0x3a: {  	_ = 	snop  }
0x3b: {  	_ = 	snop  }
0x3c: {  	p2 =	seq.s32 s10, $0x1;
	s10 =	sld [smem:$0x3FA1]  }
0x3d: {  	_ =	shalt  }
0x3e: {  	_ =	shalt  }
0x3f: {  	_ =	shalt  }
0x40: {  	_ =	shalt  }
0x41: {  	_ =	shalt  }
0x42: {  	_ =	shalt  }
0x43: {  	_ =	shalt  }
0x44: {  	_ =	shalt  }
0x45: {  	_ =	shalt  }
0x46: {  	_ =	shalt  }
0x47: {  	_ =	shalt  }
0x48: {  	_ =	shalt  }
0x49: {  	_ =	shalt  }
0x4a: {  	_ =	shalt  }
0x4b: {  	_ =	shalt  }
0x4c: {  	_ =	shalt  }
0x4d: {  	_ =	shalt  }
0x4e: {  	_ =	shalt  }
0x4f: {  	_ =	shalt  }
0x50: {  	_ =	shalt  }
0x51: {  	_ =	shalt  }
0x52: {  	_ =	shalt  }
0x53: {  	_ =	shalt  }
0x54: {  	_ =	shalt  }
0x55: {  	_ =	shalt  }
0x56: {  	_ =	shalt  }
0x57: {  	_ =	shalt  }
0x58: {  	_ =	shalt  }
0x59: {  	_ =	shalt  }
0x5a: {  	_ =	shalt  }
0x5b: {  	_ =	shalt  }
0x5c: {  	_ =	shalt  }
0x5d: {  	_ =	shalt  }
0x5e: {  	_ =	shalt  }
0x5f: {  	_ =	shalt  }
0x60: {  	_ =	shalt  }
0x61: {  	_ =	shalt  }
0x62: {  	_ =	shalt  }
0x63: {  	_ =	shalt  }
0x64: {  	_ =	shalt  }
0x65: {  	_ =	shalt  }
0x66: {  	_ =	shalt  }
0x67: {  	_ =	shalt  }
0x68: {  	_ =	shalt  }
0x69: {  	_ =	shalt  }
0x6a: {  	_ =	shalt  }
0x6b: {  	_ =	shalt  }
0x6c: {  	_ =	shalt  }
0x6d: {  	_ =	shalt  }
0x6e: {  	_ =	shalt  }
0x6f: {  	_ =	shalt  }
0x70: {  	_ =	shalt  }
0x71: {  	_ =	shalt  }
0x72: {  	_ =	shalt  }
0x73: {  	_ =	shalt  }
0x74: {  	_ =	shalt  }
0x75: {  	_ =	shalt  }
0x76: {  	_ =	shalt  }
0x77: {  	_ =	shalt  }
0x78: {  	_ =	shalt  }
0x79: {  	_ =	shalt  }
0x7a: {  	_ =	shalt  }
0x7b: {  	_ =	shalt  }
0x7c: {  	_ =	shalt  }
0x7d: {  	_ =	shalt  }
0x7e: {  	_ =	shalt  }
0x7f: {  	_ =	shalt  }
0x80: {  	_ =	shalt  }
0x81: {  	_ =	shalt  }
0x82: {  	_ =	shalt  }
0x83: {  	_ =	shalt  }
0x84: {  	_ =	shalt  }
0x85: {  	_ =	shalt  }
0x86: {  	_ =	shalt  }
0x87: {  	_ =	shalt  }
.Lfunc_end0:
.L_simem_size_0:
called_computation.1_lowered:
.L_overlay_start_0:
0x88: {  	s2 =	sld [smem:$0x3FD9]  }
0x89: {  	s3 =	sld [smem:$0x3FFE];
	_ =	sdelay $0x1  }
0x8a: {  	s1 =	srdreg.scid  }
0x8b: {  	s0 =	sand.u32 $0x1, s1  }
0x8c: {  	s14 =	sshll.u32 s0, $0xA;
	s2 =	sadd.s32 s3, s2  }
0x8d: {  	s2 =	sadd.s32 s2, s14  }
0x8e: {  	[smem:$0x3FAD] =	sst s2  }
0x8f: {  	_ = 	snop  }
0x90: {  	s2 =	sld [smem:$0x3FD0];
	_ =	sdelay $0x2  }
0x91: {  	s4 =	simm.s32 $0xA;
	s5 =	simm.s32 $0x10;
	s15 =	sld [smem:$0x3FC5]  }
0x92: {  	[smem:s5], [sflag:s4] =	dma.local [hbm:s2], $0x1  }
0x93: {  	_ =	swait.eq [sflag:s4], $0x1  }
0x94: {  	[sflag:s4] =	ssyncset.done $0x0  }
0x95: {  	[sflag:s4] =	ssyncadd.s32 $0xFFFFFFFF  }
0x96: {  	s16 =	sld [smem:$0x12];
	(tm) =	ssettm $0x1  }
0x97: {  	s17 =	sld [smem:$0x3FFB];
	_ =	sdelay $0x3  }
0x98: {  	_ =	strace s17  }
0x99: {  	s4 =	sld [smem:$0x3FFC];
	_ =	sdelay $0x3  }
0x9a: {  	_ =	strace s4  }
0x9b: {  	s4 =	sld [smem:$0x3FFD];
	_ =	sdelay $0x3  }
0x9c: {  	_ =	strace s4  }
0x9d: {  	_ =	strace $0x8FFFFFFF  }
0x9e: {  	s18 =	sld [smem:$0x3FDB];
	_ =	sdelay $0x1  }
0x9f: {  	s19 =	simm.s32 $_scs_section_size  }
0xa0: {  	s6 =	simm.s32 $_size__tile_overlayer_lowered;
	s7 =	simm.s32 $_tile_overlayer_lowered  }
0xa1: {  	s22 =	simm.s32 $0x1BFF;
	s21 =	sshll.u32 s7, $0x1;
	s4 =	sadd.s32 s19, s18  }
0xa2: {  	s8 =	simm.s32 $0x0;
	s20 =	sshll.u32 s6, $0x1;
	s6 =	sadd.s32 s21, s4  }
0xa3: {  	[timem:s8], [sflag:s22] =	dma.local [hbm:s6], s20  }
0xa4: {  	_ =	swait.ge [sflag:s22], s20  }
0xa5: {  	s5 =	ssub.s32 $0x0, s20;
	[sflag:s22] =	ssyncset.done $0x0  }
0xa6: {  	[sflag:s22] =	ssyncadd.s32 s5;
	_ =	sdelay $0x1  }
0xa7: {  	s23 =	simm.s32 $0x1B8B  }
0xa8: {  	_ =	swait.ge [sflag:s23], $0x1  }
0xa9: {  	[sflag:s23] =	ssyncset.done $0x0  }
0xaa: {  	s25 =	simm.s32 $0x1B8E;
	s24 =	sld [smem:$0x3FFE];
	[sflag:s23] =	ssyncadd.s32 $0xFFFFFFFF  }
0xab: {  	s26 =	simm.s32 $execute0_lowered;
	[smem:$0x3FD2] =	sst s25  }
0xac: {  	s6 =	sshll.u32 s26, $0x1;
	_ =	strace $0x80000049;
	[dreg:$0x1] =	wrdreg $0xFFFFFFFF  }
0xad: {  	s28 =	simm.s32 $_size_execute0_lowered;
	s4 =	sadd.s32 s4, s6;
	[dreg:$0x0] =	wrdreg $0x0  }
0xae: {  	s6 =	sshll.u32 s28, $0x1;
	[dreg:$0x2] =	wrdreg s4  }
0xaf: {  	[dreg:$0x3] =	wrdreg s6  }
0xb0: {  	[dreg:$0x4] =	wrdreg $0xC0  }
0xb1: {  	_ =	task [dreg:s8], $0x5FFFF  }
0xb2: {  	[dreg:$0x1] =	wrdreg $0xFFFFFFFF  }
0xb3: {  	[dreg:$0x0] =	wrdreg $0x60  }
0xb4: {  	[dreg:$0x2] =	wrdreg s15  }
0xb5: {  	[dreg:$0x3] =	wrdreg s16  }
0xb6: {  	[dreg:$0x4] =	wrdreg s24  }
0xb7: {  	[dreg:$0x5] =	wrdreg $0x9  }
0xb8: {  	_ =	task.clear_ibuf [dreg:s8], $0x6FFFF;
	_ =	strace $0x90000049  }
0xb9: {  	s29 =	simm.s32 $0x9;
	_ =	strace $0x8000004B  }
0xba: {  	_ =	swait.ge [sflag:s29], $0x1  }
0xbb: {  	[sflag:s29] =	ssyncadd.s32 $0xFFFFFFFF  }
0xbc: {  	_ =	strace $0x9000004B  }
0xbd: {  	_ =	sfence  }
0xbe: {  	s30 =	sld [smem:$0x0];
	_ =	sdelay $0x2  }
0xbf: {  	s31 =	sshll.u32 s1, $0xD;
	s1 =	sshrl.u32 s1, $0x2  }
0xc0: {  	s3 =	sand.u32 $0x4000, s31;
	s1 =	sadd.s32 s1, s30  }
0xc1: {  	s0 =	sor.u32 s3, s0;
	s1 =	sshll.u32 s1, $0x11  }
0xc2: {  	s0 =	sor.u32 s1, s0  }
0xc3: {  	s0 =	sadd.s32 $0x8F2B, s0  }
0xc4: {  	[sflag:s0] =	ssyncadd.remote.s32 $0x1  }
0xc5: {  	_ =	sfence.sel $0xFFFF  }
0xc6: {  	[dreg:$0x0] =	wrdreg $0xFFFFFFFF;
	(pc) =	sbr.abs _section_cstart, $3  }
0xc7: {  	[dreg:$0x1] =	wrdreg $0xFFFFFFFF  }
0xc8: {  	_ =	task.clear_ibuf [dreg:s8], $0x2FFFF;
	_ =	strace $0x9FFFFFFF  }
0xc9: {  	(tm) =	ssettm $0x7FFFFFFF  }
tec
execute0_lowered:
.L_overlay_start_1:
0x0: {  	(tag) =	ssettag $0x1  }
0x1: {  	s2 =	srdreg.scid  }
0x2: {  	s0 =	stileid.u32;
	s1 =	rddreg [dreg:$0x0]  }
0x3: {  	s4 =	rddreg [dreg:$0x1];
	s2 =	sand.u32 $0x1, s2;
	s3 =	sshll.u32 s0, $0x1  }
0x4: {  	s6 =	rddreg [dreg:$0x2];
	s5 =	sor.u32 s2, s3;
	s3 =	simm.s32 $0x0  }
0x5: {  	s23 =	simm.s32 $0x900;
	[smem:$0x7FF] =	sst s3  }
0x6: {  	s24 =	simm.s32 $0xD00;
	_ =	strace $0x8000004A;
	[dreg:$0x6] =	wrdreg s23  }
0x7: {  	s25 =	simm.s32 $0x1500;
	[dreg:$0x7] =	wrdreg s24  }
0x8: {  	s26 =	simm.s32 $0x1900;
	[dreg:$0x8] =	wrdreg s25  }
0x9: {  	s0 =	simm.s32 $0x2100;
	[dreg:$0x9] =	wrdreg s26  }
0xa: {  	s8 =	simm.s32 $0x3900;
	[dreg:$0xa] =	wrdreg s0  }
0xb: {  	s9 =	simm.s32 $0x3D00;
	[dreg:$0xe] =	wrdreg s8  }
0xc: {  	s10 =	simm.s32 $0x4500;
	[dreg:$0xf] =	wrdreg s9  }
0xd: {  	s11 =	simm.s32 $0x4900;
	[dreg:$0x10] =	wrdreg s10  }
0xe: {  	s12 =	simm.s32 $0x5100;
	[dreg:$0x11] =	wrdreg s11  }
0xf: {  	s13 =	simm.s32 $0x5500;
	[dreg:$0x12] =	wrdreg s12  }
0x10: {  	s14 =	simm.s32 $0x5D00;
	[dreg:$0x13] =	wrdreg s13  }
0x11: {  	s15 =	simm.s32 $0x6100;
	s16 =	simm.s32 $0x6900;
	[dreg:$0x14] =	wrdreg s14  }
0x12: {  	s17 =	simm.s32 $0x6D00;
	s18 =	simm.s32 $0x7500;
	[dreg:$0x15] =	wrdreg s15  }
0x13: {  	s19 =	simm.s32 $0x7900;
	s20 =	simm.s32 $0x8100;
	[dreg:$0x16] =	wrdreg s16  }
0x14: {  	s21 =	simm.s32 $0x8500;
	s28 =	simm.s32 $0x11500;
	[dreg:$0x17] =	wrdreg s17  }
0x15: {  	s29 =	simm.s32 $0x11D00;
	s30 =	simm.s32 $0x12100;
	[dreg:$0x18] =	wrdreg s18  }
0x16: {  	s31 =	simm.s32 $0x12900;
	s7 =	smul.u32 $0x2580, s5;
	[dreg:$0x19] =	wrdreg s19  }
0x17: {  	s2 =	ssub.s32 $0x2, s2;
	s5 =	smul.u32 $0x19, s5;
	[dreg:$0x1a] =	wrdreg s20  }
0x18: {  	[dreg:$0x1b] =	wrdreg s21;
	s23 =	simm.s32 $0x8D00;
	s24 =	simm.s32 $0x9100  }
0x19: {  	s25 =	simm.s32 $0x9900;
	s26 =	simm.s32 $0x9D00;
	s9 =	simm.s32 $0xA900  }
0x1a: {  	s10 =	simm.s32 $0xB100;
	s11 =	simm.s32 $0xB500;
	s12 =	simm.s32 $0xBD00  }
0x1b: {  	s13 =	simm.s32 $0xC100;
	s14 =	simm.s32 $0xC900;
	s15 =	simm.s32 $0xCD00  }
0x1c: {  	s16 =	simm.s32 $0xD500;
	s17 =	simm.s32 $0xD900;
	s18 =	simm.s32 $0xE100  }
0x1d: {  	s19 =	simm.s32 $0xE500;
	s20 =	simm.s32 $0xED00;
	[dreg:$0x1c] =	wrdreg s23  }
0x1e: {  	s21 =	simm.s32 $0xF100;
	s6 =	sadd.s32 s7, s6;
	[dreg:$0x1d] =	wrdreg s24  }
0x1f: {  	s4 =	sadd.s32 s4, s5;
	s5 =	simm.s32 $0x2500;
	[dreg:$0x1e] =	wrdreg s25  }
0x20: {  	s7 =	simm.s32 $0x3100;
	[dreg:$0x1f] =	wrdreg s26;
	s23 =	simm.s32 $0xFD00  }
0x21: {  	s24 =	simm.s32 $0x10500;
	s25 =	simm.s32 $0x10900;
	[dreg:$0x4] =	wrdreg s4  }
0x22: {  	s26 =	simm.s32 $0x11100;
	s22 =	sadd.s32 $0x4FE00, s6;
	[dreg:$0xb] =	wrdreg s5  }
0x23: {  	s6 =	simm.s32 $0x2D00;
	[dreg:$0xd] =	wrdreg s7;
	s4 =	sadd.s32 $0x100, s1  }
0x24: {  	v2 =	vlaneseq.u32;
	s7 =	simm.s32 $0x100;
	[dreg:$0x5] =	wrdreg s22;
	s22 =	sshrl.u32 s2, $0x1  }
0x25: {  	vm0 =	vmmov $0xffff;
	vm1 =	vmmov $0xff;
	v1 =	vshrl.u32 v2, $0x3;
	[dreg:$0xc] =	wrdreg s6;
	s6 =	simm.s32 $0x2;
	s2 =	ssub.s32 s2, s22  }
0x26: {  	v0 =	vand.u32 $0x7, v2;
	v2 =	vor.u32 $0x8, v2;
	v1 =	vmul.u32 $0x8, v1;
	s22 =	simm.s32 $0xF900;
	s5 =	smax.u32 s2, $0x1;
	s2 =	simm.s32 $0x1  }
.LBB2_1:
0x27: {  	s0 =	rddreg [dreg:$0x4]  }
0x28: {  	[tilespmem:s3], [sflag:$0x2] =	stream.linear.gather [hbm4b:s0+s3], $0xC8, $0x38;
	[tilespmem:$0x12D00] =	vst v63  }
0x29: {  	_ =	swait.ge [sflag:s6], $0xC8  }
0x2a: {  	[sflag:s6] =	ssyncset.done $0x0  }
0x2b: {  	[sflag:s6] =	ssyncadd.s32 $0xFFFFFF38  }
0x2c: {  	v3 =	vld [tilespmem:$0x0];
	_ =	sdelay $0x4  }
0x2d: {  	v4 =	vshrl.u32 v3, $0x3  }
0x2e: {  	v4 =	vmul.u32 $0x18, v4  }
0x2f: {  	v3 =	vand.u32 $0x7, v3  }
0x30: {  	v3 =	vor.u32 v3, v4  }
0x31: {  	v4 =	vperm.xlane v3, v0;
	_ =	sdelay $0x1  }
0x32: {  	v4 =	vadd.s32 v1, v4;
	_ =	sdelay $0x1  }
0x33: {  	v3 =	vperm.xlane v3, v2;
	_ =	sdelay $0x1  }
0x34: {  	v3 =	vadd.s32 v1, v3  }
0x35: {  	[tilespmem:s7], [sflag:$0x1] =	stream.indirect_vreg.gather [hbm4b:s1+s3], $0x80, v4, vm0, $0xb8;
	[tilespmem:$0x12D00] =	vst v63  }
0x36: {  	s0 =	rddreg [dreg:$0x6]  }
0x37: {  	[tilespmem:s0], [sflag:$0x1] =	stream.indirect_vreg.gather [hbm4b:s4+s3], $0x80, v4, vm1, $0xb8;
	[tilespmem:$0x12D00] =	vst v63  }
0x38: {  	s8 =	rddreg [dreg:$0x7]  }
0x39: {  	[tilespmem:s8], [sflag:$0x1] =	stream.indirect_vreg.gather [hbm4b:s1+s3], $0x80, v3, vm0, $0xb8;
	[tilespmem:$0x12D00] =	vst v63  }
0x3a: {  	s0 =	rddreg [dreg:$0x8]  }
0x3b: {  	[tilespmem:s0], [sflag:$0x1] =	stream.indirect_vreg.gather [hbm4b:s4+s3], $0x80, v3, vm1, $0xb8;
	[tilespmem:$0x12D00] =	vst v63  }
0x3c: {  	v3 =	vld [tilespmem:$0x10];
	_ =	sdelay $0x4  }
0x3d: {  	v52 =	vshrl.u32 v3, $0x3  }
0x3e: {  	v4 =	vmul.u32 $0x18, v52  }
0x3f: {  	v3 =	vand.u32 $0x7, v3  }
0x40: {  	v3 =	vor.u32 v3, v4  }
0x41: {  	v4 =	vperm.xlane v3, v0;
	_ =	sdelay $0x1  }
0x42: {  	v4 =	vadd.s32 v1, v4;
	_ =	sdelay $0x1  }
0x43: {  	v3 =	vperm.xlane v3, v2;
	_ =	sdelay $0x1  }
0x44: {  	s0 =	rddreg [dreg:$0x9];
	v3 =	vadd.s32 v1, v3  }
0x45: {  	[tilespmem:s0], [sflag:$0x1] =	stream.indirect_vreg.gather [hbm4b:s1+s3], $0x80, v4, vm0, $0xb8;
	[tilespmem:$0x12D00] =	vst v63  }
0x46: {  	s8 =	rddreg [dreg:$0xa]  }
0x47: {  	[tilespmem:s8], [sflag:$0x1] =	stream.indirect_vreg.gather [hbm4b:s4+s3], $0x80, v4, vm1, $0xb8;
	[tilespmem:$0x12D00] =	vst v63  }
0x48: {  	s0 =	rddreg [dreg:$0xb]  }
0x49: {  	[tilespmem:s0], [sflag:$0x1] =	stream.indirect_vreg.gather [hbm4b:s1+s3], $0x80, v3, vm0, $0xb8;
	[tilespmem:$0x12D00] =	vst v63  }
0x4a: {  	s8 =	rddreg [dreg:$0xc]  }
0x4b: {  	[tilespmem:s8], [sflag:$0x1] =	stream.indirect_vreg.gather [hbm4b:s4+s3], $0x80, v3, vm1, $0xb8;
	[tilespmem:$0x12D00] =	vst v63  }
0x4c: {  	v3 =	vld [tilespmem:$0x20];
	_ =	sdelay $0x4  }
0x4d: {  	v53 =	vshrl.u32 v3, $0x3  }
0x4e: {  	v4 =	vmul.u32 $0x18, v53  }
0x4f: {  	v3 =	vand.u32 $0x7, v3  }
0x50: {  	v3 =	vor.u32 v3, v4  }
0x51: {  	v4 =	vperm.xlane v3, v0;
	_ =	sdelay $0x1  }
0x52: {  	v4 =	vadd.s32 v1, v4;
	_ =	sdelay $0x1  }
0x53: {  	v3 =	vperm.xlane v3, v2;
	_ =	sdelay $0x1  }
0x54: {  	s0 =	rddreg [dreg:$0xd];
	v3 =	vadd.s32 v1, v3  }
0x55: {  	[tilespmem:s0], [sflag:$0x1] =	stream.indirect_vreg.gather [hbm4b:s1+s3], $0x80, v4, vm0, $0xb8;
	[tilespmem:$0x12D00] =	vst v63  }
0x56: {  	s8 =	rddreg [dreg:$0xe]  }
0x57: {  	[tilespmem:s8], [sflag:$0x1] =	stream.indirect_vreg.gather [hbm4b:s4+s3], $0x80, v4, vm1, $0xb8;
	[tilespmem:$0x12D00] =	vst v63  }
0x58: {  	s0 =	rddreg [dreg:$0xf]  }
0x59: {  	[tilespmem:s0], [sflag:$0x1] =	stream.indirect_vreg.gather [hbm4b:s1+s3], $0x80, v3, vm0, $0xb8;
	[tilespmem:$0x12D00] =	vst v63  }
0x5a: {  	s8 =	rddreg [dreg:$0x10]  }
0x5b: {  	[tilespmem:s8], [sflag:$0x1] =	stream.indirect_vreg.gather [hbm4b:s4+s3], $0x80, v3, vm1, $0xb8;
	[tilespmem:$0x12D00] =	vst v63  }
0x5c: {  	v3 =	vld [tilespmem:$0x30];
	_ =	sdelay $0x4  }
0x5d: {  	v54 =	vshrl.u32 v3, $0x3  }
0x5e: {  	v4 =	vmul.u32 $0x18, v54  }
0x5f: {  	v3 =	vand.u32 $0x7, v3  }
0x60: {  	v3 =	vor.u32 v3, v4  }
0x61: {  	v4 =	vperm.xlane v3, v0;
	_ =	sdelay $0x1  }
0x62: {  	v4 =	vadd.s32 v1, v4;
	_ =	sdelay $0x1  }
0x63: {  	v3 =	vperm.xlane v3, v2;
	_ =	sdelay $0x1  }
0x64: {  	s0 =	rddreg [dreg:$0x11];
	v3 =	vadd.s32 v1, v3  }
0x65: {  	[tilespmem:s0], [sflag:$0x1] =	stream.indirect_vreg.gather [hbm4b:s1+s3], $0x80, v4, vm0, $0xb8;
	[tilespmem:$0x12D00] =	vst v63  }
0x66: {  	s8 =	rddreg [dreg:$0x12]  }
0x67: {  	[tilespmem:s8], [sflag:$0x1] =	stream.indirect_vreg.gather [hbm4b:s4+s3], $0x80, v4, vm1, $0xb8;
	[tilespmem:$0x12D00] =	vst v63  }
0x68: {  	s0 =	rddreg [dreg:$0x13]  }
0x69: {  	[tilespmem:s0], [sflag:$0x1] =	stream.indirect_vreg.gather [hbm4b:s1+s3], $0x80, v3, vm0, $0xb8;
	[tilespmem:$0x12D00] =	vst v63  }
0x6a: {  	s8 =	rddreg [dreg:$0x14]  }
0x6b: {  	[tilespmem:s8], [sflag:$0x1] =	stream.indirect_vreg.gather [hbm4b:s4+s3], $0x80, v3, vm1, $0xb8;
	[tilespmem:$0x12D00] =	vst v63  }
0x6c: {  	v3 =	vld [tilespmem:$0x40];
	_ =	sdelay $0x4  }
0x6d: {  	v55 =	vshrl.u32 v3, $0x3  }
0x6e: {  	v4 =	vmul.u32 $0x18, v55  }
0x6f: {  	v3 =	vand.u32 $0x7, v3  }
0x70: {  	v3 =	vor.u32 v3, v4  }
0x71: {  	v4 =	vperm.xlane v3, v0;
	_ =	sdelay $0x1  }
0x72: {  	v4 =	vadd.s32 v1, v4;
	_ =	sdelay $0x1  }
0x73: {  	v3 =	vperm.xlane v3, v2;
	_ =	sdelay $0x1  }
0x74: {  	s0 =	rddreg [dreg:$0x15];
	v3 =	vadd.s32 v1, v3  }
0x75: {  	[tilespmem:s0], [sflag:$0x1] =	stream.indirect_vreg.gather [hbm4b:s1+s3], $0x80, v4, vm0, $0xb8;
	[tilespmem:$0x12D00] =	vst v63  }
0x76: {  	s8 =	rddreg [dreg:$0x16]  }
0x77: {  	[tilespmem:s8], [sflag:$0x1] =	stream.indirect_vreg.gather [hbm4b:s4+s3], $0x80, v4, vm1, $0xb8;
	[tilespmem:$0x12D00] =	vst v63  }
0x78: {  	s0 =	rddreg [dreg:$0x17]  }
0x79: {  	[tilespmem:s0], [sflag:$0x1] =	stream.indirect_vreg.gather [hbm4b:s1+s3], $0x80, v3, vm0, $0xb8;
	[tilespmem:$0x12D00] =	vst v63  }
0x7a: {  	s8 =	rddreg [dreg:$0x18]  }
0x7b: {  	[tilespmem:s8], [sflag:$0x1] =	stream.indirect_vreg.gather [hbm4b:s4+s3], $0x80, v3, vm1, $0xb8;
	[tilespmem:$0x12D00] =	vst v63  }
0x7c: {  	v3 =	vld [tilespmem:$0x50];
	_ =	sdelay $0x4  }
0x7d: {  	v56 =	vshrl.u32 v3, $0x3  }
0x7e: {  	v4 =	vmul.u32 $0x18, v56  }
0x7f: {  	v3 =	vand.u32 $0x7, v3  }
0x80: {  	v3 =	vor.u32 v3, v4  }
0x81: {  	v4 =	vperm.xlane v3, v0;
	_ =	sdelay $0x1  }
0x82: {  	v4 =	vadd.s32 v1, v4;
	_ =	sdelay $0x1  }
0x83: {  	v3 =	vperm.xlane v3, v2;
	_ =	sdelay $0x1  }
0x84: {  	s0 =	rddreg [dreg:$0x19];
	v3 =	vadd.s32 v1, v3  }
0x85: {  	[tilespmem:s0], [sflag:$0x1] =	stream.indirect_vreg.gather [hbm4b:s1+s3], $0x80, v4, vm0, $0xb8;
	[tilespmem:$0x12D00] =	vst v63  }
0x86: {  	s8 =	rddreg [dreg:$0x1a]  }
0x87: {  	[tilespmem:s8], [sflag:$0x1] =	stream.indirect_vreg.gather [hbm4b:s4+s3], $0x80, v4, vm1, $0xb8;
	[tilespmem:$0x12D00] =	vst v63  }
0x88: {  	s0 =	rddreg [dreg:$0x1b]  }
0x89: {  	[tilespmem:s0], [sflag:$0x1] =	stream.indirect_vreg.gather [hbm4b:s1+s3], $0x80, v3, vm0, $0xb8;
	[tilespmem:$0x12D00] =	vst v63  }
0x8a: {  	s8 =	rddreg [dreg:$0x1c]  }
0x8b: {  	[tilespmem:s8], [sflag:$0x1] =	stream.indirect_vreg.gather [hbm4b:s4+s3], $0x80, v3, vm1, $0xb8;
	[tilespmem:$0x12D00] =	vst v63  }
0x8c: {  	v3 =	vld [tilespmem:$0x60];
	_ =	sdelay $0x4  }
0x8d: {  	v57 =	vshrl.u32 v3, $0x3  }
0x8e: {  	v4 =	vmul.u32 $0x18, v57  }
0x8f: {  	v3 =	vand.u32 $0x7, v3  }
0x90: {  	v3 =	vor.u32 v3, v4  }
0x91: {  	v4 =	vperm.xlane v3, v0;
	_ =	sdelay $0x1  }
0x92: {  	v4 =	vadd.s32 v1, v4;
	_ =	sdelay $0x1  }
0x93: {  	v3 =	vperm.xlane v3, v2;
	_ =	sdelay $0x1  }
0x94: {  	s0 =	rddreg [dreg:$0x1d];
	v3 =	vadd.s32 v1, v3  }
0x95: {  	[tilespmem:s0], [sflag:$0x1] =	stream.indirect_vreg.gather [hbm4b:s1+s3], $0x80, v4, vm0, $0xb8;
	[tilespmem:$0x12D00] =	vst v63  }
0x96: {  	s8 =	rddreg [dreg:$0x1e]  }
0x97: {  	[tilespmem:s8], [sflag:$0x1] =	stream.indirect_vreg.gather [hbm4b:s4+s3], $0x80, v4, vm1, $0xb8;
	[tilespmem:$0x12D00] =	vst v63  }
0x98: {  	s0 =	rddreg [dreg:$0x1f]  }
0x99: {  	[tilespmem:s0], [sflag:$0x1] =	stream.indirect_vreg.gather [hbm4b:s1+s3], $0x80, v3, vm0, $0xb8;
	[tilespmem:$0x12D00] =	vst v63  }
0x9a: {  	s8 =	simm.s32 $0xA500  }
0x9b: {  	[tilespmem:s8], [sflag:$0x1] =	stream.indirect_vreg.gather [hbm4b:s4+s3], $0x80, v3, vm1, $0xb8;
	[tilespmem:$0x12D00] =	vst v63  }
0x9c: {  	v3 =	vld [tilespmem:$0x70];
	_ =	sdelay $0x4  }
0x9d: {  	v58 =	vshrl.u32 v3, $0x3  }
0x9e: {  	v4 =	vmul.u32 $0x18, v58  }
0x9f: {  	v3 =	vand.u32 $0x7, v3  }
0xa0: {  	v3 =	vor.u32 v3, v4  }
0xa1: {  	v4 =	vperm.xlane v3, v0;
	_ =	sdelay $0x1  }
0xa2: {  	v4 =	vadd.s32 v1, v4;
	_ =	sdelay $0x1  }
0xa3: {  	v3 =	vperm.xlane v3, v2;
	_ =	sdelay $0x1  }
0xa4: {  	v3 =	vadd.s32 v1, v3  }
0xa5: {  	[tilespmem:s9], [sflag:$0x1] =	stream.indirect_vreg.gather [hbm4b:s1+s3], $0x80, v4, vm0, $0xb8;
	[tilespmem:$0x12D00] =	vst v63  }
0xa6: {  	_ = 	snop  }
0xa7: {  	[tilespmem:s10], [sflag:$0x1] =	stream.indirect_vreg.gather [hbm4b:s4+s3], $0x80, v4, vm1, $0xb8;
	[tilespmem:$0x12D00] =	vst v63  }
0xa8: {  	_ = 	snop  }
0xa9: {  	[tilespmem:s11], [sflag:$0x1] =	stream.indirect_vreg.gather [hbm4b:s1+s3], $0x80, v3, vm0, $0xb8;
	[tilespmem:$0x12D00] =	vst v63  }
0xaa: {  	_ = 	snop  }
0xab: {  	[tilespmem:s12], [sflag:$0x1] =	stream.indirect_vreg.gather [hbm4b:s4+s3], $0x80, v3, vm1, $0xb8;
	[tilespmem:$0x12D00] =	vst v63  }
0xac: {  	v3 =	vld [tilespmem:$0x80];
	_ =	sdelay $0x4  }
0xad: {  	v59 =	vshrl.u32 v3, $0x3  }
0xae: {  	v4 =	vmul.u32 $0x18, v59  }
0xaf: {  	v3 =	vand.u32 $0x7, v3  }
0xb0: {  	v3 =	vor.u32 v3, v4  }
0xb1: {  	v4 =	vperm.xlane v3, v0;
	_ =	sdelay $0x1  }
0xb2: {  	v4 =	vadd.s32 v1, v4;
	_ =	sdelay $0x1  }
0xb3: {  	v3 =	vperm.xlane v3, v2;
	_ =	sdelay $0x1  }
0xb4: {  	v3 =	vadd.s32 v1, v3  }
0xb5: {  	[tilespmem:s13], [sflag:$0x1] =	stream.indirect_vreg.gather [hbm4b:s1+s3], $0x80, v4, vm0, $0xb8;
	[tilespmem:$0x12D00] =	vst v63  }
0xb6: {  	_ = 	snop  }
0xb7: {  	[tilespmem:s14], [sflag:$0x1] =	stream.indirect_vreg.gather [hbm4b:s4+s3], $0x80, v4, vm1, $0xb8;
	[tilespmem:$0x12D00] =	vst v63  }
0xb8: {  	_ = 	snop  }
0xb9: {  	[tilespmem:s15], [sflag:$0x1] =	stream.indirect_vreg.gather [hbm4b:s1+s3], $0x80, v3, vm0, $0xb8;
	[tilespmem:$0x12D00] =	vst v63  }
0xba: {  	_ = 	snop  }
0xbb: {  	[tilespmem:s16], [sflag:$0x1] =	stream.indirect_vreg.gather [hbm4b:s4+s3], $0x80, v3, vm1, $0xb8;
	[tilespmem:$0x12D00] =	vst v63  }
0xbc: {  	v3 =	vld [tilespmem:$0x90];
	_ =	sdelay $0x4  }
0xbd: {  	v60 =	vshrl.u32 v3, $0x3  }
0xbe: {  	v4 =	vmul.u32 $0x18, v60  }
0xbf: {  	v3 =	vand.u32 $0x7, v3  }
0xc0: {  	v3 =	vor.u32 v3, v4  }
0xc1: {  	v4 =	vperm.xlane v3, v0;
	_ =	sdelay $0x1  }
0xc2: {  	v4 =	vadd.s32 v1, v4;
	_ =	sdelay $0x1  }
0xc3: {  	v3 =	vperm.xlane v3, v2;
	_ =	sdelay $0x1  }
0xc4: {  	v3 =	vadd.s32 v1, v3  }
0xc5: {  	[tilespmem:s17], [sflag:$0x1] =	stream.indirect_vreg.gather [hbm4b:s1+s3], $0x80, v4, vm0, $0xb8;
	[tilespmem:$0x12D00] =	vst v63  }
0xc6: {  	_ = 	snop  }
0xc7: {  	[tilespmem:s18], [sflag:$0x1] =	stream.indirect_vreg.gather [hbm4b:s4+s3], $0x80, v4, vm1, $0xb8;
	[tilespmem:$0x12D00] =	vst v63  }
0xc8: {  	_ = 	snop  }
0xc9: {  	[tilespmem:s19], [sflag:$0x1] =	stream.indirect_vreg.gather [hbm4b:s1+s3], $0x80, v3, vm0, $0xb8;
	[tilespmem:$0x12D00] =	vst v63  }
0xca: {  	_ = 	snop  }
0xcb: {  	[tilespmem:s20], [sflag:$0x1] =	stream.indirect_vreg.gather [hbm4b:s4+s3], $0x80, v3, vm1, $0xb8;
	[tilespmem:$0x12D00] =	vst v63  }
0xcc: {  	v3 =	vld [tilespmem:$0xA0];
	_ =	sdelay $0x4  }
0xcd: {  	v61 =	vshrl.u32 v3, $0x3  }
0xce: {  	v4 =	vmul.u32 $0x18, v61  }
0xcf: {  	v3 =	vand.u32 $0x7, v3  }
0xd0: {  	v3 =	vor.u32 v3, v4  }
0xd1: {  	v4 =	vperm.xlane v3, v0;
	_ =	sdelay $0x1  }
0xd2: {  	v4 =	vadd.s32 v1, v4;
	_ =	sdelay $0x1  }
0xd3: {  	v3 =	vperm.xlane v3, v2;
	_ =	sdelay $0x1  }
0xd4: {  	v3 =	vadd.s32 v1, v3  }
0xd5: {  	[tilespmem:s21], [sflag:$0x1] =	stream.indirect_vreg.gather [hbm4b:s1+s3], $0x80, v4, vm0, $0xb8;
	[tilespmem:$0x12D00] =	vst v63  }
0xd6: {  	_ = 	snop  }
0xd7: {  	[tilespmem:s22], [sflag:$0x1] =	stream.indirect_vreg.gather [hbm4b:s4+s3], $0x80, v4, vm1, $0xb8;
	[tilespmem:$0x12D00] =	vst v63  }
0xd8: {  	_ = 	snop  }
0xd9: {  	[tilespmem:s23], [sflag:$0x1] =	stream.indirect_vreg.gather [hbm4b:s1+s3], $0x80, v3, vm0, $0xb8;
	[tilespmem:$0x12D00] =	vst v63  }
0xda: {  	_ = 	snop  }
0xdb: {  	[tilespmem:s24], [sflag:$0x1] =	stream.indirect_vreg.gather [hbm4b:s4+s3], $0x80, v3, vm1, $0xb8;
	[tilespmem:$0x12D00] =	vst v63  }
0xdc: {  	v3 =	vld [tilespmem:$0xB0];
	_ =	sdelay $0x4  }
0xdd: {  	v62 =	vshrl.u32 v3, $0x3  }
0xde: {  	v4 =	vmul.u32 $0x18, v62  }
0xdf: {  	v3 =	vand.u32 $0x7, v3  }
0xe0: {  	v3 =	vor.u32 v3, v4  }
0xe1: {  	v4 =	vperm.xlane v3, v0;
	_ =	sdelay $0x1  }
0xe2: {  	v4 =	vadd.s32 v1, v4;
	_ =	sdelay $0x1  }
0xe3: {  	v3 =	vperm.xlane v3, v2;
	_ =	sdelay $0x1  }
0xe4: {  	v3 =	vadd.s32 v1, v3  }
0xe5: {  	[tilespmem:s25], [sflag:$0x1] =	stream.indirect_vreg.gather [hbm4b:s1+s3], $0x80, v4, vm0, $0xb8;
	[tilespmem:$0x12D00] =	vst v63  }
0xe6: {  	_ = 	snop  }
0xe7: {  	[tilespmem:s26], [sflag:$0x1] =	stream.indirect_vreg.gather [hbm4b:s4+s3], $0x80, v4, vm1, $0xb8;
	[tilespmem:$0x12D00] =	vst v63  }
0xe8: {  	_ = 	snop  }
0xe9: {  	[tilespmem:s28], [sflag:$0x1] =	stream.indirect_vreg.gather [hbm4b:s1+s3], $0x80, v3, vm0, $0xb8;
	[tilespmem:$0x12D00] =	vst v63  }
0xea: {  	_ = 	snop  }
0xeb: {  	[tilespmem:s29], [sflag:$0x1] =	stream.indirect_vreg.gather [hbm4b:s4+s3], $0x80, v3, vm1, $0xb8;
	[tilespmem:$0x12D00] =	vst v63  }
0xec: {  	v3 =	vld.msk [tilespmem:$0xC0], $0xff;
	_ =	sdelay $0x4  }
0xed: {  	v63 =	vshrl.u32 v3, $0x3  }
0xee: {  	v4 =	vmul.u32 $0x18, v63  }
0xef: {  	v3 =	vand.u32 $0x7, v3  }
0xf0: {  	v3 =	vor.u32 v3, v4  }
0xf1: {  	v3 =	vperm.xlane v3, v0;
	_ =	sdelay $0x1  }
0xf2: {  	v3 =	vadd.s32 v1, v3;
	_ =	sdelay $0x4  }
0xf3: {  	[tilespmem:s30], [sflag:$0x1] =	stream.indirect_vreg.gather [hbm4b:s1+s3], $0x80, v3, vm0, $0xb8;
	[tilespmem:$0x12D00] =	vst v63  }
0xf4: {  	_ = 	snop  }
0xf5: {  	[tilespmem:s31], [sflag:$0x1] =	stream.indirect_vreg.gather [hbm4b:s4+s3], $0x80, v3, vm1, $0xb8;
	[tilespmem:$0x12D00] =	vst v63  }
0xf6: {  	_ =	swait.ge [sflag:s2], $0x12C00  }
0xf7: {  	p0 =	sne.s32 s5, $0x1;
	[sflag:s2] =	ssyncset.done $0x0  }
.Ltmp0:
0xf8: {  	s8 =	rddreg [dreg:$0x5];
	[sflag:s2] =	ssyncadd.s32 $0xFFFED400;
	(pc) =	sbr.rel @p0 .LBB2_1-.Ltmp0, $4  }
0xf9: {  	[hbm4b:s8+s3] =	stream.linear.scatter [tilespmem:s7], [sflag:$0x2], $0x12C00, $0x38;
	[tilespmem:$0x12D00] =	vst v63  }
0xfa: {  	_ =	swait.ge [sflag:s6], $0x12C00  }
0xfb: {  	[sflag:s6] =	ssyncset.done $0x0  }
0xfc: {  	s5 =	sadd.s32 $0xFFFFFFFF, s5;
	[sflag:s6] =	ssyncadd.s32 $0xFFFED400  }
0xfd: {  	_ =	sfence.sel $0x180000  }
0xfe: {  	[bflag:$0x0] =	sbarrier.arrive $0xFFFF  }
0xff: {  	_ =	strace $0x9000004A  }
0x100: {  	s0 =	stileid.u32;
	[bflag:$0x2] =	sbarrier.arrive $0xFFFF  }
0x101: {  	p0 =	sne.s32 s0, $0x0;
	s0 =	rddreg [dreg:$0x3]  }
0x102: {  	s0 =	sadd.s32 @!p0 $0x100000, s0  }
0x103: {  	[sflag:s0] =	ssyncadd.tile.s32 @!p0 $0x1;
	_ =	shalt  }
.Lfunc_end2:
_tile_overlayer_lowered:
.L_overlay_start_2:
0x104: {  	(tag) =	ssettag $0x2  }
0x105: {  	s0 =	rddreg [dreg:$0x0];
	s2 =	stileid.u32  }
0x106: {  	s1 =	rddreg [dreg:$0x1];
	p0 =	sne.s32 s2, $0x0  }
0x107: {  	s3 =	rddreg [dreg:$0x2];
	[bflag:$0x3] =	sbarrier.arrive $0xFFFF;
	s2 =	simm.s32 @!p0 $0x1C02  }
0x108: {  	[timem:s3], [sflag:s2] =	dma.local @!p0 [hbm:s0], s1  }
0x109: {  	s0 =	simm.s32 @!p0 $0x2  }
0x10a: {  	_ =	swait.ge @!p0 [sflag:s0], s1  }
0x10b: {  	s1 =	ssub.s32 @!p0 $0x0, s1;
	[sflag:s0] =	ssyncset.done @!p0 $0x0  }
0x10c: {  	[sflag:s0] =	ssyncadd.s32 @!p0 s1  }
0x10d: {  	[bflag:$0x3] =	sbarrier.arrive $0xFFFF  }
0x10e: {  	_ =	shalt  }

</sc_bundles>
